<compile_context>
chip_gen: v7x
topology: tpu7x:2x2x1
jax: 0.10.2.dev20260603
libtpu: 0.0.44.dev20260713+nightly
codegen_flags: <defaults>
</compile_context>

<pallas_src>
import functools

import jax
import jax.numpy as jnp
from jax import lax
from jax.experimental import pallas as pl
from jax.experimental.pallas import tpu as pltpu
from jax.experimental.pallas import tpu_sc as plsc

N, T, C = 8, 160, 80
U, V = 40, 500
ED, DD, JD = 512, 512, 512
U1 = U + 1
UP = 48
VP = 512
NEG = -1e30


def _sc_gather(table, idx, n_rows):
    info = plsc.get_sparse_core_info()
    nw = info.num_cores * info.num_subcores
    bpw = n_rows // nw
    mesh = plsc.VectorSubcoreMesh(core_axis_name="c", subcore_axis_name="s")

    @functools.partial(
        pl.kernel,
        mesh=mesh,
        out_type=jax.ShapeDtypeStruct((n_rows, DD), jnp.float32),
        scratch_types=[
            pltpu.VMEM((bpw,), jnp.int32),
            pltpu.VMEM((bpw, DD), jnp.float32),
            pltpu.SemaphoreType.DMA,
        ],
    )
    def gather_k(table_hbm, idx_hbm, out_hbm, idx_v, rows_v, sem):
        wid = lax.axis_index("s") * info.num_cores + lax.axis_index("c")
        base = wid * bpw
        pltpu.sync_copy(idx_hbm.at[pl.ds(base, bpw)], idx_v)
        pltpu.async_copy(table_hbm.at[idx_v], rows_v, sem).wait()
        pltpu.sync_copy(rows_v, out_hbm.at[pl.ds(base, bpw)])

    return gather_k(table, idx)


def _lattice_body(x_ref, dec_ref, Wenc_ref, Wam_ref, Wlm_ref, Wje_ref,
                  Wjd_ref, Wo_ref, bias_ref, yv_ref, ebo_ref, ylen_ref,
                  ps_ref, pj_ref,
                  am_scr, E_scr, lm_scr, D_scr, Ms_scr, Mj_scr,
                  pj_s):
    b = pl.program_id(0)
    n = pl.program_id(1)
    bf16 = jnp.bfloat16
    benc = bias_ref[0, 0:1, :]
    bam = bias_ref[0, 1:2, :].astype(bf16)
    blm = bias_ref[0, 2:3, :].astype(bf16)

    enc = (jnp.dot(x_ref[0], Wenc_ref[...],
                   preferred_element_type=jnp.float32) + benc).astype(bf16)
    f32 = jnp.float32
    am_scr[...] = (jnp.dot(enc, Wam_ref[...],
                           preferred_element_type=f32)).astype(bf16) + bam
    E_scr[...] = jnp.dot(enc, Wje_ref[0],
                         preferred_element_type=f32).astype(bf16)
    dec = dec_ref[0, 0].astype(bf16)
    lm_scr[...] = jnp.dot(dec, Wlm_ref[...],
                          preferred_element_type=f32) + blm.astype(f32)
    D_scr[...] = jnp.dot(dec, Wjd_ref[0], preferred_element_type=f32)

    row5 = lax.broadcasted_iota(jnp.int32, (VP, 128), 0)
    lane5 = lax.broadcasted_iota(jnp.int32, (VP, 128), 1)
    sub8 = lax.broadcasted_iota(jnp.int32, (8, 128), 0)
    yrow = jnp.sum(jnp.where(sub8 == n, yv_ref[0], 0), axis=0,
                   keepdims=True)
    m = (((row5 == yrow) & (lane5 < UP))
         | ((row5 == 0) & (lane5 >= 64) & (lane5 < 64 + UP))
         | ((lane5 == 120) & (row5 < V)))
    Ms_scr[...] = m.astype(bf16)
    Mj_scr[...] = m.astype(bf16) * ebo_ref[0]

    zeros = jnp.zeros((T, 128), jnp.float32)
    pj_s[...] = zeros

    lane1 = lax.broadcasted_iota(jnp.int32, (1, 128), 1)
    lane63 = lane1 % 64
    lane_ok = lane1 < (64 + UP)

    bf16 = jnp.bfloat16

    am_bf = am_scr[...]
    lm_bf = lm_scr[...].astype(bf16)
    ea = jnp.exp(am_bf)
    el = jnp.exp(lm_bf)
    se = lax.dot_general(ea, el, (((1,), (1,)), ((), ())),
                         preferred_element_type=jnp.float32)
    sefull = jnp.concatenate(
        [se, jnp.zeros((T, 64 - UP), jnp.float32),
         se, jnp.zeros((T, 64 - UP), jnp.float32)], axis=1)
    am_y = jnp.dot(am_bf, Ms_scr[...],
                   preferred_element_type=jnp.float32)
    lm_y = jnp.dot(lm_bf, Ms_scr[...],
                   preferred_element_type=jnp.float32)
    sub_up = lax.broadcasted_iota(jnp.int32, (UP, 128), 0)
    lane63_up = lax.broadcasted_iota(jnp.int32, (UP, 128), 1) % 64
    lm_diag = jnp.sum(jnp.where(sub_up == lane63_up, lm_y, 0.0),
                      axis=0, keepdims=True)
    msk_ok = (lane63 < UP) & lane_ok
    ps_ref[0, 0] = jnp.where(msk_ok, am_y + lm_diag - jnp.log(sefull),
                             0.0)

    def one_u(u):
        d_u = D_scr[pl.ds(u, 1), :].astype(bf16)
        msk = (lane63 == u) & lane_ok

        hb = jnp.tanh(E_scr[...] + d_u)
        lj = jnp.dot(hb, Wo_ref[0],
                     preferred_element_type=jnp.float32).astype(bf16)
        Sj = jnp.dot(jnp.exp(lj), Mj_scr[...],
                     preferred_element_type=jnp.float32)
        Lj = jnp.log(Sj)
        pj_s[...] += jnp.where(msk, Lj - Lj[:, 120:121], 0.0)

    def body(ch, _):
        for k in range(4):
            one_u(ch * 4 + k)
        return 0

    n_chunks = (ylen_ref[b, n] + 4) // 4
    lax.fori_loop(0, n_chunks, body, 0)

    pj_ref[0, 0] = pj_s[...]


def _lattice_call(x, dec_stk, Wenc, Wam_p, Wlm_p, Wje_stk, Wjd_stk, Wo_stk,
                  bias_stk, yv_arr, ebo_stk, ylen_stk):
    out_sh = jax.ShapeDtypeStruct((2, N, T, 128), jnp.float32)
    bf16 = jnp.bfloat16
    return pl.pallas_call(
        _lattice_body,
        grid=(2, N),
        in_specs=[
            pl.BlockSpec((1, T, C), lambda b, n: (n, 0, 0)),
            pl.BlockSpec((1, 1, UP, DD), lambda b, n: (b, n, 0, 0)),
            pl.BlockSpec((C, ED), lambda b, n: (0, 0)),
            pl.BlockSpec((ED, VP), lambda b, n: (0, 0)),
            pl.BlockSpec((DD, VP), lambda b, n: (0, 0)),
            pl.BlockSpec((1, ED, JD), lambda b, n: (b, 0, 0)),
            pl.BlockSpec((1, DD, JD), lambda b, n: (b, 0, 0)),
            pl.BlockSpec((1, JD, VP), lambda b, n: (b, 0, 0)),
            pl.BlockSpec((1, 8, VP), lambda b, n: (b, 0, 0)),
            pl.BlockSpec((1, 8, 128), lambda b, n: (b, 0, 0)),
            pl.BlockSpec((1, VP, 128), lambda b, n: (b, 0, 0)),
            pl.BlockSpec(memory_space=pltpu.SMEM),
        ],
        out_specs=[pl.BlockSpec((1, 1, T, 128), lambda b, n: (b, n, 0, 0))] * 2,
        out_shape=[out_sh] * 2,
        scratch_shapes=[
            pltpu.VMEM((T, VP), bf16),
            pltpu.VMEM((T, JD), bf16),
            pltpu.VMEM((UP, VP), jnp.float32),
            pltpu.VMEM((UP, JD), jnp.float32),
            pltpu.VMEM((VP, 128), bf16),
            pltpu.VMEM((VP, 128), bf16),
            pltpu.VMEM((T, 128), jnp.float32),
        ],
        compiler_params=pltpu.CompilerParams(
            dimension_semantics=("parallel", "parallel")),
    )(x, dec_stk, Wenc, Wam_p, Wlm_p, Wje_stk, Wjd_stk, Wo_stk, bias_stk,
      yv_arr, ebo_stk, ylen_stk)


def _lae(a, b):
    mx = jnp.maximum(a, b)
    return mx + jnp.log(1.0 + jnp.exp(-jnp.abs(a - b)))


def _dp_body(px_ref, py_ref, xlen_ref, ylen_ref, tmax_ref, out_ref, cs_scr):
    r = lax.broadcasted_iota(jnp.int32, (128, 128), 0)
    c = lax.broadcasted_iota(jnp.int32, (128, 128), 1)
    tri = (r < c).astype(jnp.float32)
    pxv = px_ref[...].reshape(T * 32, 128)
    cs_scr[...] = jnp.dot(pxv, tri,
                          preferred_element_type=jnp.float32).reshape(
                              T, 32, 128)

    lane = lax.broadcasted_iota(jnp.int32, (32, 128), 1)
    xlen = xlen_ref[...]
    ylhot = lane == ylen_ref[...]
    valid = lane <= ylen_ref[...]

    tri_in = (r <= c).astype(jnp.float32)
    alpha0 = cs_scr[0]
    tot0 = jnp.where((xlen == 1) & ylhot, alpha0 + py_ref[0], 0.0)

    def body(t, carry):
        alpha, tot = carry
        cs_t = cs_scr[t]
        m = jnp.where(valid, alpha + py_ref[t - 1] - cs_t, NEG)
        rmax = jnp.max(m, axis=1, keepdims=True)
        sexp = jnp.dot(jnp.exp(m - rmax), tri_in,
                       preferred_element_type=jnp.float32)
        alpha = cs_t + rmax + jnp.log(sexp)
        cap = jnp.where((xlen - 1 == t) & ylhot, alpha + py_ref[t], 0.0)
        return alpha, tot + cap

    _, tot = lax.fori_loop(1, tmax_ref[0], body, (alpha0, tot0))
    out_ref[...] = tot


def _dp_call(px_all, py_all, xlen_b, ylen_b, tmax):
    return pl.pallas_call(
        _dp_body,
        in_specs=[pl.BlockSpec(memory_space=pltpu.VMEM)] * 4
        + [pl.BlockSpec(memory_space=pltpu.SMEM)],
        out_shape=jax.ShapeDtypeStruct((32, 128), jnp.float32),
        scratch_shapes=[pltpu.VMEM((T, 32, 128), jnp.float32)],
    )(px_all, py_all, xlen_b, ylen_b, tmax)


def kernel(x, x_lens, y_common, y_lens_common, y_rich, y_lens_rich, W_enc,
           b_enc, emb_common, emb_rich, W_am, b_am, W_lm, b_lm, Wje_c, Wjd_c,
           Wo_c, bo_c, Wje_r, Wjd_r, Wo_r, bo_r):
    i32 = jnp.int32
    x_lens = x_lens.astype(i32)
    yc = y_common.astype(i32)
    yr = y_rich.astype(i32)
    pad_v = ((0, 0), (0, VP - V))

    bf16 = jnp.bfloat16
    Wam_p = jnp.pad(W_am, pad_v).astype(bf16)
    bam_p = jnp.pad(b_am, (0, VP - V), constant_values=NEG)
    Wlm_p = jnp.pad(W_lm, pad_v).astype(bf16)
    blm_p = jnp.pad(b_lm, (0, VP - V), constant_values=NEG)
    Wo_stk = jnp.stack([jnp.pad(Wo_c, pad_v),
                        jnp.pad(Wo_r, pad_v)]).astype(bf16)
    ebo_stk = jnp.broadcast_to(
        jnp.stack([jnp.pad(jnp.exp(bo_c), (0, VP - V)),
                   jnp.pad(jnp.exp(bo_r), (0, VP - V))])[:, :, None],
        (2, VP, 128)).astype(bf16)
    Wje_stk = jnp.stack([Wje_c, Wje_r]).astype(bf16)
    Wjd_stk = jnp.stack([Wjd_c, Wjd_r]).astype(bf16)

    zero_row = jnp.zeros((VP,), jnp.float32)
    bias_stk = jnp.stack([
        jnp.stack([b_enc, bam_p, blm_p] + [zero_row] * 5),
        jnp.stack([b_enc, bam_p, blm_p] + [zero_row] * 5),
    ])

    sos_c = jnp.pad(jnp.concatenate([jnp.zeros((N, 1), i32), yc], axis=1),
                    ((0, 0), (0, UP - U1)))
    sos_r = jnp.pad(jnp.concatenate([jnp.zeros((N, 1), i32), yr], axis=1),
                    ((0, 0), (0, UP - U1)))
    y_stk = jnp.stack([jnp.pad(yc, ((0, 0), (0, UP - U)), constant_values=1),
                       jnp.pad(yr, ((0, 0), (0, UP - U)), constant_values=1)])
    yv_arr = jnp.pad(y_stk, ((0, 0), (0, 0), (0, 128 - UP)),
                     constant_values=-1)

    table = jnp.concatenate([emb_common, emb_rich], axis=0)
    idx = jnp.concatenate([sos_c.reshape(-1), sos_r.reshape(-1) + V])
    dec_stk = _sc_gather(table, idx, 2 * N * UP).reshape(2, N, UP, DD)

    ylen_stk = jnp.stack([y_lens_common, y_lens_rich]).astype(i32)
    ps, pj = _lattice_call(
        x, dec_stk, W_enc, Wam_p, Wlm_p, Wje_stk, Wjd_stk, Wo_stk, bias_stk,
        yv_arr, ebo_stk, ylen_stk)
    z64 = jnp.zeros((2, N, T, 64), jnp.float32)
    pxs = jnp.concatenate([ps[..., :64], z64], -1)
    pys = jnp.concatenate([ps[..., 64:], z64], -1)
    pxj = jnp.concatenate([pj[..., :64], z64], -1)
    pyj = jnp.concatenate([pj[..., 64:], z64], -1)

    def tmajor(a4):
        return a4.transpose(2, 0, 1, 3).reshape(T, 32, 128)

    px_all = tmajor(jnp.stack([pxs[0], pxj[0], pxs[1], pxj[1]]))
    py_all = tmajor(jnp.stack([pys[0], pyj[0], pys[1], pyj[1]]))

    xlen_b = jnp.broadcast_to(x_lens[None, :, None], (4, N, 128)).reshape(
        32, 128)
    yl = jnp.stack([y_lens_common, y_lens_common, y_lens_rich,
                    y_lens_rich]).astype(i32)
    ylen_b = jnp.broadcast_to(yl[:, :, None], (4, N, 128)).reshape(32, 128)

    tmax = jnp.max(x_lens).reshape(1)
    tot = _dp_call(px_all, py_all, xlen_b, ylen_b, tmax)
    sl_c = -jnp.sum(tot[0:8])
    pl_c = -jnp.sum(tot[8:16])
    sl_r = -jnp.sum(tot[16:24])
    pl_r = -jnp.sum(tot[24:32])
    return (sl_c, pl_c, sl_r, pl_r)

# --- scband reference (transcript-rebuilt; emitter-appended) ---
"""Pipeline reference for scband-transducer-77670188581012 (READ-ONLY COPY).

The authoritative reference and input builder live on the scoring server;
editing this copy changes nothing except your own understanding.
"""

import jax, jax.numpy as jnp
import numpy as np

N, T, C = 8, 160, 80
U, V = 40, 500
ED, DD, JD = 512, 512, 512

def setup_inputs(seed: int = 0):
    key = jax.random.key(seed)
    ks = jax.random.split(key, 24)
    inp = {}
    inp["x"] = jax.random.normal(ks[0], (N, T, C), jnp.float32)
    inp["x_lens"] = jax.random.randint(ks[1], (N,), T // 2, T + 1)
    inp["y_common"] = jax.random.randint(ks[2], (N, U), 1, V)
    inp["y_lens_common"] = jax.random.randint(ks[3], (N,), U // 2, U + 1)
    inp["y_rich"] = jax.random.randint(ks[4], (N, U), 1, V)
    inp["y_lens_rich"] = jax.random.randint(ks[5], (N,), U // 2, U + 1)
    def w(k, shape, fan_in):
        return jax.random.normal(k, shape, jnp.float32) / np.sqrt(fan_in)
    inp["W_enc"] = w(ks[6], (C, ED), C)
    inp["b_enc"] = jnp.zeros((ED,), jnp.float32)
    inp["emb_common"] = w(ks[7], (V, DD), DD)
    inp["emb_rich"] = w(ks[8], (V, DD), DD)
    inp["W_am"] = w(ks[9], (ED, V), ED) * 0.5
    inp["b_am"] = jnp.zeros((V,), jnp.float32)
    inp["W_lm"] = w(ks[10], (DD, V), DD)
    inp["b_lm"] = jnp.zeros((V,), jnp.float32)
    inp["Wje_c"] = w(ks[11], (ED, JD), ED)
    inp["Wjd_c"] = w(ks[12], (DD, JD), DD)
    inp["Wo_c"] = w(ks[13], (JD, V), JD)
    inp["bo_c"] = jnp.zeros((V,), jnp.float32)
    inp["Wje_r"] = w(ks[14], (ED, JD), ED)
    inp["Wjd_r"] = w(ks[15], (DD, JD), DD)
    inp["Wo_r"] = w(ks[16], (JD, V), JD)
    inp["bo_r"] = jnp.zeros((V,), jnp.float32)
    return inp

def _rnnt_loss(lp, y, x_lens, y_lens):
    # lp: [N, T, U+1, V] log-probs over vocab; blank id = 0.
    n, t, up1, v = lp.shape
    u = up1 - 1
    # px[n,t,u'] = log P(emit y[u'] | frame t, state u');  py = log P(blank)
    px = jnp.take_along_axis(lp[:, :, :-1, :], jnp.broadcast_to(y[:, None, :, None], (n, t, u, 1)), axis=3)[..., 0]
    py = lp[:, :, :, 0]
    # alpha DP (Graves 2012): alpha[t,u] = logaddexp(alpha[t-1,u]+py[t-1,u], alpha[t,u-1]+px[t,u-1])
    cs0 = jnp.concatenate([jnp.zeros((n, 1)), jnp.cumsum(px[:, 0, :], axis=1)], axis=1)
    alpha0 = cs0
    def step(alpha, inputs):
        px_t, py_prev = inputs
        cs = jnp.concatenate([jnp.zeros((n, 1)), jnp.cumsum(px_t, axis=1)], axis=1)
        m = alpha + py_prev - cs
        lcse = jax.lax.associative_scan(jnp.logaddexp, m, axis=1)
        new = cs + lcse
        return new, new
    xs = (jnp.transpose(px[:, 1:, :], (1, 0, 2)), jnp.transpose(py[:, :-1, :], (1, 0, 2)))
    _, rows = jax.lax.scan(step, alpha0, xs)
    alphas = jnp.concatenate([alpha0[None], rows], axis=0)  # [T, N, U+1]
    bidx = jnp.arange(n)
    tot = alphas[x_lens - 1, bidx, y_lens] + py[bidx, x_lens - 1, y_lens]
    return -jnp.sum(tot)  # reduction='sum'

def _losses(encoder_out, x_lens, y, y_lens, emb, W_am, b_am, W_lm, b_lm, Wje, Wjd, Wo, bo):
    n = encoder_out.shape[0]
    # add_sos with blank_id=0, then pad (already dense)
    sos_y = jnp.concatenate([jnp.zeros((n, 1), y.dtype), y], axis=1)
    decoder_out = jnp.take(emb, sos_y, axis=0)  # prediction network (embedding)
    am = encoder_out @ W_am + b_am  # simple_am_proj
    lm = decoder_out @ W_lm + b_lm  # simple_lm_proj
    lp_simple = jax.nn.log_softmax(am[:, :, None, :] + lm[:, None, :, :], axis=-1)
    simple_loss = _rnnt_loss(lp_simple, y, x_lens, y_lens)
    # non-linear joiner on the full lattice (pruning replaced by exact full-lattice loss)
    h = jnp.tanh((encoder_out @ Wje)[:, :, None, :] + (decoder_out @ Wjd)[:, None, :, :])
    logits = h @ Wo + bo
    lp_joint = jax.nn.log_softmax(logits, axis=-1)
    pruned_loss = _rnnt_loss(lp_joint, y, x_lens, y_lens)
    return simple_loss, pruned_loss

def reference(x, x_lens, y_common, y_lens_common, y_rich, y_lens_rich, W_enc, b_enc, emb_common, emb_rich, W_am, b_am, W_lm, b_lm, Wje_c, Wjd_c, Wo_c, bo_c, Wje_r, Wjd_r, Wo_r, bo_r):
    encoder_out = x @ W_enc + b_enc  # transcription network (simplified to projection)
    sl_c, pl_c = _losses(encoder_out, x_lens, y_common, y_lens_common, emb_common, W_am, b_am, W_lm, b_lm, Wje_c, Wjd_c, Wo_c, bo_c)
    sl_r, pl_r = _losses(encoder_out, x_lens, y_rich, y_lens_rich, emb_rich, W_am, b_am, W_lm, b_lm, Wje_r, Wjd_r, Wo_r, bo_r)
    return (sl_c, pl_c, sl_r, pl_r)

if __name__ == "__main__":
    import jax
    _d = setup_inputs()
    print(jax.jit(kernel)(*tuple(_d.values())))

</pallas_src>

<mosaic_0001>
#map = affine_map<(d0, d1) -> (0, 0)>
#map1 = affine_map<(d0, d1) -> (0)>
module attributes {stable_mosaic.version = 14 : i64} {
  func.func @gather_k(%arg0: i32, %arg1: i32, %arg2: memref<1000x512xf32, #tpu.memory_space<hbm>>, %arg3: memref<768xi32, #tpu.memory_space<hbm>>, %arg4: memref<768x512xf32, #tpu.memory_space<hbm>>, %arg5: memref<24xi32, #tpu.memory_space<vmem>>, %arg6: memref<24x512xf32, #tpu.memory_space<vmem>>, %arg7: memref<!tpu.dma_semaphore, #tpu.memory_space<semaphore_mem>>) attributes {dimension_semantics = [#tpu.dimension_semantics<core_parallel>, #tpu.dimension_semantics<subcore_parallel>], iteration_bounds = array<i64: 2, 16>, scalar_prefetch = 0 : i64, scratch_operands = 3 : i64, tpu.core_type = #tpu.core_type<sc_vector_subcore>, window_params = [{transform_indices = #map}, {transform_indices = #map1}, {transform_indices = #map}]} {
    %mul3A = arith.constant 2 : i32
    %mul3A_0 = arith.muli %arg1, %mul3A : i32
    %add3A = arith.addi %mul3A_0, %arg0 : i32
    %mul3A_1 = arith.constant 24 : i32
    %mul3A_2 = arith.muli %add3A, %mul3A_1 : i32
    "tpu.region"() ({
      %run_scoped3A = tpu.sem_alloc : memref<!tpu.dma_semaphore, #tpu.memory_space<semaphore_mem>>
      %dma_start3A_7 = tpu.memref_slice %arg3[%mul3A_2] : memref<768xi32, #tpu.memory_space<hbm>> -> memref<24xi32, #tpu.memory_space<hbm>>
      %dma_start3A_8 = tpu.memref_slice %arg3[%mul3A_2] : memref<768xi32, #tpu.memory_space<hbm>> -> memref<24xi32, #tpu.memory_space<hbm>>
      tpu.enqueue_dma source(%dma_start3A_8 : memref<24xi32, #tpu.memory_space<hbm>>) target(%arg5 : memref<24xi32, #tpu.memory_space<vmem>>) target_semaphore(%run_scoped3A : memref<!tpu.dma_semaphore, #tpu.memory_space<semaphore_mem>>)
      %dma_wait3A_9 = tpu.memref_slice %arg3[%mul3A_2] : memref<768xi32, #tpu.memory_space<hbm>> -> memref<24xi32, #tpu.memory_space<hbm>>
      %dma_wait3A_10 = tpu.memref_slice %arg3[%mul3A_2] : memref<768xi32, #tpu.memory_space<hbm>> -> memref<24xi32, #tpu.memory_space<hbm>>
      tpu.wait_dma2 semaphore(%run_scoped3A : memref<!tpu.dma_semaphore, #tpu.memory_space<semaphore_mem>>) src(%dma_wait3A_10 : memref<24xi32, #tpu.memory_space<hbm>>) dst(%arg5 : memref<24xi32, #tpu.memory_space<vmem>>)
      tpu.yield
    }) : () -> ()
    %dma_start3A = arith.constant 0 : i32
    %dma_start3A_3 = arith.constant 0 : i32
    %dma_start3A_4 = tpu.memref_slice %arg2[%dma_start3A, %dma_start3A_3] : memref<1000x512xf32, #tpu.memory_space<hbm>> -> memref<1000x512xf32, #tpu.memory_space<hbm>>
    tpu.enqueue_indirect_dma source(%dma_start3A_4 : memref<1000x512xf32, #tpu.memory_space<hbm>>) target(%arg6 : memref<24x512xf32, #tpu.memory_space<vmem>>) offsets(%arg5 : memref<24xi32, #tpu.memory_space<vmem>>) semaphore(%arg7 : memref<!tpu.dma_semaphore, #tpu.memory_space<semaphore_mem>>)
    %dma_wait3A = arith.constant 0 : i32
    %dma_wait3A_5 = arith.constant 0 : i32
    %dma_wait3A_6 = tpu.memref_slice %arg2[%dma_wait3A, %dma_wait3A_5] : memref<1000x512xf32, #tpu.memory_space<hbm>> -> memref<1000x512xf32, #tpu.memory_space<hbm>>
    tpu.wait_indirect_dma semaphore(%arg7 : memref<!tpu.dma_semaphore, #tpu.memory_space<semaphore_mem>>) src(%dma_wait3A_6 : memref<1000x512xf32, #tpu.memory_space<hbm>>) dst(%arg6 : memref<24x512xf32, #tpu.memory_space<vmem>>)
    "tpu.region"() ({
      %run_scoped3A = tpu.sem_alloc : memref<!tpu.dma_semaphore, #tpu.memory_space<semaphore_mem>>
      %dma_start3A_7 = arith.constant 0 : i32
      %dma_start3A_8 = tpu.memref_slice %arg4[%mul3A_2, %dma_start3A_7] : memref<768x512xf32, #tpu.memory_space<hbm>> -> memref<24x512xf32, #tpu.memory_space<hbm>>
      %dma_start3A_9 = arith.constant 0 : i32
      %dma_start3A_10 = tpu.memref_slice %arg4[%mul3A_2, %dma_start3A_9] : memref<768x512xf32, #tpu.memory_space<hbm>> -> memref<24x512xf32, #tpu.memory_space<hbm>>
      tpu.enqueue_dma source(%arg6 : memref<24x512xf32, #tpu.memory_space<vmem>>) target(%dma_start3A_10 : memref<24x512xf32, #tpu.memory_space<hbm>>) target_semaphore(%run_scoped3A : memref<!tpu.dma_semaphore, #tpu.memory_space<semaphore_mem>>)
      %dma_wait3A_11 = arith.constant 0 : i32
      %dma_wait3A_12 = tpu.memref_slice %arg4[%mul3A_2, %dma_wait3A_11] : memref<768x512xf32, #tpu.memory_space<hbm>> -> memref<24x512xf32, #tpu.memory_space<hbm>>
      %dma_wait3A_13 = arith.constant 0 : i32
      %dma_wait3A_14 = tpu.memref_slice %arg4[%mul3A_2, %dma_wait3A_13] : memref<768x512xf32, #tpu.memory_space<hbm>> -> memref<24x512xf32, #tpu.memory_space<hbm>>
      tpu.wait_dma2 semaphore(%run_scoped3A : memref<!tpu.dma_semaphore, #tpu.memory_space<semaphore_mem>>) src(%arg6 : memref<24x512xf32, #tpu.memory_space<vmem>>) dst(%dma_wait3A_14 : memref<24x512xf32, #tpu.memory_space<hbm>>)
      tpu.yield
    }) : () -> ()
    return
  }
}

module attributes {stable_mosaic.version = 14 : i64} {
  func.func @_lattice_body(%arg0: i32, %arg1: i32, %arg2: memref<1x160x80xf32, #tpu.memory_space<vmem>>, %arg3: memref<1x1x48x512xf32, #tpu.memory_space<vmem>>, %arg4: memref<80x512xf32, #tpu.memory_space<vmem>>, %arg5: memref<512x512xbf16, #tpu.memory_space<vmem>>, %arg6: memref<512x512xbf16, #tpu.memory_space<vmem>>, %arg7: memref<1x512x512xbf16, #tpu.memory_space<vmem>>, %arg8: memref<1x512x512xbf16, #tpu.memory_space<vmem>>, %arg9: memref<1x512x512xbf16, #tpu.memory_space<vmem>>, %arg10: memref<1x8x512xf32, #tpu.memory_space<vmem>>, %arg11: memref<1x8x128xi32, #tpu.memory_space<vmem>>, %arg12: memref<1x512x128xbf16, #tpu.memory_space<vmem>>, %arg13: memref<2x8xi32, #tpu.memory_space<smem>>, %arg14: memref<1x1x160x128xf32, #tpu.memory_space<vmem>>, %arg15: memref<1x1x160x128xf32, #tpu.memory_space<vmem>>, %arg16: memref<160x512xbf16, #tpu.memory_space<vmem>>, %arg17: memref<160x512xbf16, #tpu.memory_space<vmem>>, %arg18: memref<48x512xf32, #tpu.memory_space<vmem>>, %arg19: memref<48x512xf32, #tpu.memory_space<vmem>>, %arg20: memref<512x128xbf16, #tpu.memory_space<vmem>>, %arg21: memref<512x128xbf16, #tpu.memory_space<vmem>>, %arg22: memref<160x128xf32, #tpu.memory_space<vmem>>) attributes {dimension_semantics = [#tpu.dimension_semantics<parallel>, #tpu.dimension_semantics<parallel>], iteration_bounds = array<i64: 2, 8>, scalar_prefetch = 0 : i64, scratch_operands = 7 : i64, tpu.core_type = #tpu.core_type<tc>, window_params = [{transform_indices = @transform_0, window_bounds = array<i64: 1, 160, 80>}, {transform_indices = @transform_1, window_bounds = array<i64: 1, 1, 48, 512>}, {pipeline_mode = #tpu.pipeline_mode<synchronous>, transform_indices = @transform_2, window_bounds = array<i64: 80, 512>}, {pipeline_mode = #tpu.pipeline_mode<synchronous>, transform_indices = @transform_3, window_bounds = array<i64: 512, 512>}, {pipeline_mode = #tpu.pipeline_mode<synchronous>, transform_indices = @transform_4, window_bounds = array<i64: 512, 512>}, {transform_indices = @transform_5, window_bounds = array<i64: 1, 512, 512>}, {transform_indices = @transform_6, window_bounds = array<i64: 1, 512, 512>}, {transform_indices = @transform_7, window_bounds = array<i64: 1, 512, 512>}, {transform_indices = @transform_8, window_bounds = array<i64: 1, 8, 512>}, {transform_indices = @transform_9, window_bounds = array<i64: 1, 8, 128>}, {transform_indices = @transform_10, window_bounds = array<i64: 1, 512, 128>}, {transform_indices = @transform_11, window_bounds = array<i64: 2, 8>}, {transform_indices = @transform_12, window_bounds = array<i64: 1, 1, 160, 128>}, {transform_indices = @transform_13, window_bounds = array<i64: 1, 1, 160, 128>}]} {
    %get3A = arith.constant 0 : index
    %get3A_0 = arith.constant 0 : index
    %get3A_1 = arith.constant 0 : index
    %get3A_2 = vector.load %arg10[%get3A, %get3A_0, %get3A_1] : memref<1x8x512xf32, #tpu.memory_space<vmem>>, vector<1x1x512xf32>
    %get3A_3 = vector.shape_cast %get3A_2 : vector<1x1x512xf32> to vector<1x512xf32>
    %get3A_4 = arith.constant 0 : index
    %get3A_5 = arith.constant 1 : index
    %get3A_6 = arith.constant 0 : index
    %get3A_7 = vector.load %arg10[%get3A_4, %get3A_5, %get3A_6] : memref<1x8x512xf32, #tpu.memory_space<vmem>>, vector<1x1x512xf32>
    %get3A_8 = vector.shape_cast %get3A_7 : vector<1x1x512xf32> to vector<1x512xf32>
    %convert_element_type3A = arith.truncf %get3A_8 : vector<1x512xf32> to vector<1x512xbf16>
    %get3A_9 = arith.constant 0 : index
    %get3A_10 = arith.constant 2 : index
    %get3A_11 = arith.constant 0 : index
    %get3A_12 = vector.load %arg10[%get3A_9, %get3A_10, %get3A_11] : memref<1x8x512xf32, #tpu.memory_space<vmem>>, vector<1x1x512xf32>
    %get3A_13 = vector.shape_cast %get3A_12 : vector<1x1x512xf32> to vector<1x512xf32>
    %convert_element_type3A_14 = arith.truncf %get3A_13 : vector<1x512xf32> to vector<1x512xbf16>
    %get3A_15 = arith.constant 0 : index
    %get3A_16 = arith.constant 0 : index
    %get3A_17 = arith.constant 0 : index
    %get3A_18 = vector.load %arg2[%get3A_15, %get3A_16, %get3A_17] : memref<1x160x80xf32, #tpu.memory_space<vmem>>, vector<1x160x80xf32>
    %get3A_19 = vector.shape_cast %get3A_18 : vector<1x160x80xf32> to vector<160x80xf32>
    %get3A_20 = arith.constant 0 : index
    %get3A_21 = arith.constant 0 : index
    %get3A_22 = vector.load %arg4[%get3A_20, %get3A_21] : memref<80x512xf32, #tpu.memory_space<vmem>>, vector<80x512xf32>
    %dot_general3A = arith.constant dense<0.000000e+00> : vector<160x512xf32>
    %dot_general3A_23 = tpu.matmul %get3A_19, %get3A_22, %dot_general3A {dimension_numbers = #tpu.dot_dimension_numbers<[1], [0], [0], [1], [0, 0, 1, 1], [], []>, transpose_lhs_hint = false} : vector<160x80xf32>, vector<80x512xf32>, vector<160x512xf32> -> vector<160x512xf32>
    %add3A = vector.broadcast %get3A_3 : vector<1x512xf32> to vector<160x512xf32>
    %add3A_24 = arith.addf %dot_general3A_23, %add3A : vector<160x512xf32>
    %convert_element_type3A_25 = arith.truncf %add3A_24 : vector<160x512xf32> to vector<160x512xbf16>
    %get3A_26 = arith.constant 0 : index
    %get3A_27 = arith.constant 0 : index
    %get3A_28 = vector.load %arg5[%get3A_26, %get3A_27] : memref<512x512xbf16, #tpu.memory_space<vmem>>, vector<512x512xbf16>
    %dot_general3A_29 = arith.constant dense<0.000000e+00> : vector<160x512xf32>
    %dot_general3A_30 = tpu.matmul %convert_element_type3A_25, %get3A_28, %dot_general3A_29 {dimension_numbers = #tpu.dot_dimension_numbers<[1], [0], [0], [1], [0, 0, 1, 1], [], []>, transpose_lhs_hint = false} : vector<160x512xbf16>, vector<512x512xbf16>, vector<160x512xf32> -> vector<160x512xf32>
    %convert_element_type3A_31 = arith.truncf %dot_general3A_30 : vector<160x512xf32> to vector<160x512xbf16>
    %add3A_32 = vector.broadcast %convert_element_type3A : vector<1x512xbf16> to vector<160x512xbf16>
    %add3A_33 = arith.addf %convert_element_type3A_31, %add3A_32 : vector<160x512xbf16>
    %swap3A = arith.constant 0 : index
    %swap3A_34 = arith.constant 0 : index
    %swap3A_35 = vector.load %arg16[%swap3A, %swap3A_34] : memref<160x512xbf16, #tpu.memory_space<vmem>>, vector<160x512xbf16>
    tpu.vector_store %arg16[%swap3A, %swap3A_34], %add3A_33 {strides = array<i32>} : memref<160x512xbf16, #tpu.memory_space<vmem>>, vector<160x512xbf16>,
    %get3A_36 = arith.constant 0 : index
    %get3A_37 = arith.constant 0 : index
    %get3A_38 = arith.constant 0 : index
    %get3A_39 = vector.load %arg7[%get3A_36, %get3A_37, %get3A_38] : memref<1x512x512xbf16, #tpu.memory_space<vmem>>, vector<1x512x512xbf16>
    %get3A_40 = vector.shape_cast %get3A_39 : vector<1x512x512xbf16> to vector<512x512xbf16>
    %dot_general3A_41 = arith.constant dense<0.000000e+00> : vector<160x512xf32>
    %dot_general3A_42 = tpu.matmul %convert_element_type3A_25, %get3A_40, %dot_general3A_41 {dimension_numbers = #tpu.dot_dimension_numbers<[1], [0], [0], [1], [0, 0, 1, 1], [], []>, transpose_lhs_hint = false} : vector<160x512xbf16>, vector<512x512xbf16>, vector<160x512xf32> -> vector<160x512xf32>
    %convert_element_type3A_43 = arith.truncf %dot_general3A_42 : vector<160x512xf32> to vector<160x512xbf16>
    %swap3A_44 = arith.constant 0 : index
    %swap3A_45 = arith.constant 0 : index
    %swap3A_46 = vector.load %arg17[%swap3A_44, %swap3A_45] : memref<160x512xbf16, #tpu.memory_space<vmem>>, vector<160x512xbf16>
    tpu.vector_store %arg17[%swap3A_44, %swap3A_45], %convert_element_type3A_43 {strides = array<i32>} : memref<160x512xbf16, #tpu.memory_space<vmem>>, vector<160x512xbf16>,
    %get3A_47 = arith.constant 0 : index
    %get3A_48 = arith.constant 0 : index
    %get3A_49 = arith.constant 0 : index
    %get3A_50 = arith.constant 0 : index
    %get3A_51 = vector.load %arg3[%get3A_47, %get3A_48, %get3A_49, %get3A_50] : memref<1x1x48x512xf32, #tpu.memory_space<vmem>>, vector<1x1x48x512xf32>
    %get3A_52 = vector.shape_cast %get3A_51 : vector<1x1x48x512xf32> to vector<48x512xf32>
    %convert_element_type3A_53 = arith.truncf %get3A_52 : vector<48x512xf32> to vector<48x512xbf16>
    %get3A_54 = arith.constant 0 : index
    %get3A_55 = arith.constant 0 : index
    %get3A_56 = vector.load %arg6[%get3A_54, %get3A_55] : memref<512x512xbf16, #tpu.memory_space<vmem>>, vector<512x512xbf16>
    %dot_general3A_57 = arith.constant dense<0.000000e+00> : vector<48x512xf32>
    %dot_general3A_58 = tpu.matmul %convert_element_type3A_53, %get3A_56, %dot_general3A_57 {dimension_numbers = #tpu.dot_dimension_numbers<[1], [0], [0], [1], [0, 0, 1, 1], [], []>, transpose_lhs_hint = false} : vector<48x512xbf16>, vector<512x512xbf16>, vector<48x512xf32> -> vector<48x512xf32>
    %convert_element_type3A_59 = arith.extf %convert_element_type3A_14 : vector<1x512xbf16> to vector<1x512xf32>
    %add3A_60 = vector.broadcast %convert_element_type3A_59 : vector<1x512xf32> to vector<48x512xf32>
    %add3A_61 = arith.addf %dot_general3A_58, %add3A_60 : vector<48x512xf32>
    %swap3A_62 = arith.constant 0 : index
    %swap3A_63 = arith.constant 0 : index
    %swap3A_64 = vector.load %arg18[%swap3A_62, %swap3A_63] : memref<48x512xf32, #tpu.memory_space<vmem>>, vector<48x512xf32>
    tpu.vector_store %arg18[%swap3A_62, %swap3A_63], %add3A_61 {strides = array<i32>} : memref<48x512xf32, #tpu.memory_space<vmem>>, vector<48x512xf32>,
    %get3A_65 = arith.constant 0 : index
    %get3A_66 = arith.constant 0 : index
    %get3A_67 = arith.constant 0 : index
    %get3A_68 = vector.load %arg8[%get3A_65, %get3A_66, %get3A_67] : memref<1x512x512xbf16, #tpu.memory_space<vmem>>, vector<1x512x512xbf16>
    %get3A_69 = vector.shape_cast %get3A_68 : vector<1x512x512xbf16> to vector<512x512xbf16>
    %dot_general3A_70 = arith.constant dense<0.000000e+00> : vector<48x512xf32>
    %dot_general3A_71 = tpu.matmul %convert_element_type3A_53, %get3A_69, %dot_general3A_70 {dimension_numbers = #tpu.dot_dimension_numbers<[1], [0], [0], [1], [0, 0, 1, 1], [], []>, transpose_lhs_hint = false} : vector<48x512xbf16>, vector<512x512xbf16>, vector<48x512xf32> -> vector<48x512xf32>
    %swap3A_72 = arith.constant 0 : index
    %swap3A_73 = arith.constant 0 : index
    %swap3A_74 = vector.load %arg19[%swap3A_72, %swap3A_73] : memref<48x512xf32, #tpu.memory_space<vmem>>, vector<48x512xf32>
    tpu.vector_store %arg19[%swap3A_72, %swap3A_73], %dot_general3A_71 {strides = array<i32>} : memref<48x512xf32, #tpu.memory_space<vmem>>, vector<48x512xf32>,
    %iota3A = tpu.iota {dimensions = array<i32: 0>} : vector<512x128xi32>
    %iota3A_75 = tpu.iota {dimensions = array<i32: 1>} : vector<512x128xi32>
    %iota3A_76 = tpu.iota {dimensions = array<i32: 0>} : vector<8x128xi32>
    %eq3A = vector.broadcast %arg1 : i32 to vector<8x128xi32>
    %eq3A_77 = arith.cmpi eq, %iota3A_76, %eq3A : vector<8x128xi32>
    %get3A_78 = arith.constant 0 : index
    %get3A_79 = arith.constant 0 : index
    %get3A_80 = arith.constant 0 : index
    %get3A_81 = vector.load %arg11[%get3A_78, %get3A_79, %get3A_80] : memref<1x8x128xi32, #tpu.memory_space<vmem>>, vector<1x8x128xi32>
    %get3A_82 = vector.shape_cast %get3A_81 : vector<1x8x128xi32> to vector<8x128xi32>
    %jit3A = arith.constant 0 : i32
    %broadcast_in_dim3A = vector.broadcast %jit3A : i32 to vector<8x128xi32>
    %select_n3A = arith.select %eq3A_77, %get3A_82, %broadcast_in_dim3A : vector<8x128xi1>, vector<8x128xi32>
    %reduce_sum3A = arith.constant dense<0> : vector<128xi32>
    %reduce_sum3A_83 = vector.multi_reduction <add>, %select_n3A, %reduce_sum3A [0] : vector<8x128xi32> to vector<128xi32>
    %broadcast_in_dim3A_84 = vector.shape_cast %reduce_sum3A_83 : vector<128xi32> to vector<1x128xi32>
    %eq3A_85 = vector.broadcast %broadcast_in_dim3A_84 : vector<1x128xi32> to vector<512x128xi32>
    %eq3A_86 = arith.cmpi eq, %iota3A, %eq3A_85 : vector<512x128xi32>
    %lt3A = arith.constant 48 : i32
    %lt3A_87 = vector.broadcast %lt3A : i32 to vector<512x128xi32>
    %lt3A_88 = arith.cmpi slt, %iota3A_75, %lt3A_87 : vector<512x128xi32>
    %and3A = arith.andi %eq3A_86, %lt3A_88 : vector<512x128xi1>
    %eq3A_89 = arith.constant 0 : i32
    %eq3A_90 = vector.broadcast %eq3A_89 : i32 to vector<512x128xi32>
    %eq3A_91 = arith.cmpi eq, %iota3A, %eq3A_90 : vector<512x128xi32>
    %ge3A = arith.constant 64 : i32
    %ge3A_92 = vector.broadcast %ge3A : i32 to vector<512x128xi32>
    %ge3A_93 = arith.cmpi sge, %iota3A_75, %ge3A_92 : vector<512x128xi32>
    %and3A_94 = arith.andi %eq3A_91, %ge3A_93 : vector<512x128xi1>
    %lt3A_95 = arith.constant 112 : i32
    %lt3A_96 = vector.broadcast %lt3A_95 : i32 to vector<512x128xi32>
    %lt3A_97 = arith.cmpi slt, %iota3A_75, %lt3A_96 : vector<512x128xi32>
    %and3A_98 = arith.andi %and3A_94, %lt3A_97 : vector<512x128xi1>
    %or3A = arith.ori %and3A, %and3A_98 : vector<512x128xi1>
    %eq3A_99 = arith.constant 120 : i32
    %eq3A_100 = vector.broadcast %eq3A_99 : i32 to vector<512x128xi32>
    %eq3A_101 = arith.cmpi eq, %iota3A_75, %eq3A_100 : vector<512x128xi32>
    %lt3A_102 = arith.constant 500 : i32
    %lt3A_103 = vector.broadcast %lt3A_102 : i32 to vector<512x128xi32>
    %lt3A_104 = arith.cmpi slt, %iota3A, %lt3A_103 : vector<512x128xi32>
    %and3A_105 = arith.andi %eq3A_101, %lt3A_104 : vector<512x128xi1>
    %or3A_106 = arith.ori %or3A, %and3A_105 : vector<512x128xi1>
    %convert_element_type3A_107 = arith.extui %or3A_106 : vector<512x128xi1> to vector<512x128xi32>
    %convert_element_type3A_108 = arith.sitofp %convert_element_type3A_107 : vector<512x128xi32> to vector<512x128xf32>
    %convert_element_type3A_109 = arith.truncf %convert_element_type3A_108 : vector<512x128xf32> to vector<512x128xbf16>
    %swap3A_110 = arith.constant 0 : index
    %swap3A_111 = arith.constant 0 : index
    %swap3A_112 = vector.load %arg20[%swap3A_110, %swap3A_111] : memref<512x128xbf16, #tpu.memory_space<vmem>>, vector<512x128xbf16>
    tpu.vector_store %arg20[%swap3A_110, %swap3A_111], %convert_element_type3A_109 {strides = array<i32>} : memref<512x128xbf16, #tpu.memory_space<vmem>>, vector<512x128xbf16>,
    %convert_element_type3A_113 = arith.extui %or3A_106 : vector<512x128xi1> to vector<512x128xi32>
    %convert_element_type3A_114 = arith.sitofp %convert_element_type3A_113 : vector<512x128xi32> to vector<512x128xf32>
    %convert_element_type3A_115 = arith.truncf %convert_element_type3A_114 : vector<512x128xf32> to vector<512x128xbf16>
    %get3A_116 = arith.constant 0 : index
    %get3A_117 = arith.constant 0 : index
    %get3A_118 = arith.constant 0 : index
    %get3A_119 = vector.load %arg12[%get3A_116, %get3A_117, %get3A_118] : memref<1x512x128xbf16, #tpu.memory_space<vmem>>, vector<1x512x128xbf16>
    %get3A_120 = vector.shape_cast %get3A_119 : vector<1x512x128xbf16> to vector<512x128xbf16>
    %mul3A = arith.mulf %convert_element_type3A_115, %get3A_120 : vector<512x128xbf16>
    %swap3A_121 = arith.constant 0 : index
    %swap3A_122 = arith.constant 0 : index
    %swap3A_123 = vector.load %arg21[%swap3A_121, %swap3A_122] : memref<512x128xbf16, #tpu.memory_space<vmem>>, vector<512x128xbf16>
    tpu.vector_store %arg21[%swap3A_121, %swap3A_122], %mul3A {strides = array<i32>} : memref<512x128xbf16, #tpu.memory_space<vmem>>, vector<512x128xbf16>,
    %broadcast_in_dim3A_124 = arith.constant 0.000000e+00 : f32
    %broadcast_in_dim3A_125 = vector.broadcast %broadcast_in_dim3A_124 : f32 to vector<160x128xf32>
    %swap3A_126 = arith.constant 0 : index
    %swap3A_127 = arith.constant 0 : index
    %swap3A_128 = vector.load %arg22[%swap3A_126, %swap3A_127] : memref<160x128xf32, #tpu.memory_space<vmem>>, vector<160x128xf32>
    tpu.vector_store %arg22[%swap3A_126, %swap3A_127], %broadcast_in_dim3A_125 {strides = array<i32>} : memref<160x128xf32, #tpu.memory_space<vmem>>, vector<160x128xf32>,
    %iota3A_129 = tpu.iota {dimensions = array<i32: 1>} : vector<1x128xi32>
    %jit3A_130 = arith.constant 64 : i32
    %eq3A_131 = arith.constant 0 : i32
    %eq3A_132 = arith.cmpi eq, %jit3A_130, %eq3A_131 : i32
    %jit3A_133 = arith.constant 1 : i32
    %select_n3A_134 = arith.select %eq3A_132, %jit3A_133, %jit3A_130 : i32
    %rem3A = vector.broadcast %select_n3A_134 : i32 to vector<1x128xi32>
    %rem3A_135 = arith.remsi %iota3A_129, %rem3A : vector<1x128xi32>
    %ne3A = arith.constant 0 : i32
    %ne3A_136 = vector.broadcast %ne3A : i32 to vector<1x128xi32>
    %ne3A_137 = arith.cmpi ne, %rem3A_135, %ne3A_136 : vector<1x128xi32>
    %lt3A_138 = arith.constant 0 : i32
    %lt3A_139 = vector.broadcast %lt3A_138 : i32 to vector<1x128xi32>
    %lt3A_140 = arith.cmpi slt, %rem3A_135, %lt3A_139 : vector<1x128xi32>
    %lt3A_141 = arith.constant 0 : i32
    %lt3A_142 = arith.cmpi slt, %select_n3A_134, %lt3A_141 : i32
    %ne3A_143 = vector.broadcast %lt3A_142 : i1 to vector<1x128xi1>
    %ne3A_144 = vector.broadcast %ne3A_143 : vector<1x128xi1> to vector<1x128xi1>
    %ne3A_145 = arith.xori %lt3A_140, %ne3A_144 : vector<1x128xi1>
    %and3A_146 = arith.andi %ne3A_145, %ne3A_137 : vector<1x128xi1>
    %add3A_147 = vector.broadcast %select_n3A_134 : i32 to vector<1x128xi32>
    %add3A_148 = arith.addi %rem3A_135, %add3A_147 : vector<1x128xi32>
    %select_n3A_149 = arith.select %and3A_146, %add3A_148, %rem3A_135 : vector<1x128xi1>, vector<1x128xi32>
    %lt3A_150 = arith.constant 112 : i32
    %lt3A_151 = vector.broadcast %lt3A_150 : i32 to vector<1x128xi32>
    %lt3A_152 = arith.cmpi slt, %iota3A_129, %lt3A_151 : vector<1x128xi32>
    %get3A_153 = arith.constant 0 : index
    %get3A_154 = arith.constant 0 : index
    %get3A_155 = vector.load %arg16[%get3A_153, %get3A_154] : memref<160x512xbf16, #tpu.memory_space<vmem>>, vector<160x512xbf16>
    %get3A_156 = arith.constant 0 : index
    %get3A_157 = arith.constant 0 : index
    %get3A_158 = vector.load %arg18[%get3A_156, %get3A_157] : memref<48x512xf32, #tpu.memory_space<vmem>>, vector<48x512xf32>
    %convert_element_type3A_159 = arith.truncf %get3A_158 : vector<48x512xf32> to vector<48x512xbf16>
    %exp3A = math.exp %get3A_155 : vector<160x512xbf16>
    %exp3A_160 = math.exp %convert_element_type3A_159 : vector<48x512xbf16>
    %dot_general3A_161 = arith.constant dense<0.000000e+00> : vector<160x48xf32>
    %dot_general3A_162 = tpu.matmul %exp3A, %exp3A_160, %dot_general3A_161 {dimension_numbers = #tpu.dot_dimension_numbers<[1], [1], [0], [0], [0, 0, 1, 0], [], []>, transpose_lhs_hint = false} : vector<160x512xbf16>, vector<48x512xbf16>, vector<160x48xf32> -> vector<160x48xf32>
    %broadcast_in_dim3A_163 = arith.constant 0.000000e+00 : f32
    %broadcast_in_dim3A_164 = vector.broadcast %broadcast_in_dim3A_163 : f32 to vector<160x16xf32>
    %broadcast_in_dim3A_165 = arith.constant 0.000000e+00 : f32
    %broadcast_in_dim3A_166 = vector.broadcast %broadcast_in_dim3A_165 : f32 to vector<160x16xf32>
    %concatenate3A = tpu.concatenate %dot_general3A_162, %broadcast_in_dim3A_164, %dot_general3A_162, %broadcast_in_dim3A_166 in 1 : vector<160x48xf32>, vector<160x16xf32>, vector<160x48xf32>, vector<160x16xf32> -> vector<160x128xf32>
    %get3A_167 = arith.constant 0 : index
    %get3A_168 = arith.constant 0 : index
    %get3A_169 = vector.load %arg20[%get3A_167, %get3A_168] : memref<512x128xbf16, #tpu.memory_space<vmem>>, vector<512x128xbf16>
    %dot_general3A_170 = arith.constant dense<0.000000e+00> : vector<160x128xf32>
    %dot_general3A_171 = tpu.matmul %get3A_155, %get3A_169, %dot_general3A_170 {dimension_numbers = #tpu.dot_dimension_numbers<[1], [0], [0], [1], [0, 0, 1, 1], [], []>, transpose_lhs_hint = false} : vector<160x512xbf16>, vector<512x128xbf16>, vector<160x128xf32> -> vector<160x128xf32>
    %get3A_172 = arith.constant 0 : index
    %get3A_173 = arith.constant 0 : index
    %get3A_174 = vector.load %arg20[%get3A_172, %get3A_173] : memref<512x128xbf16, #tpu.memory_space<vmem>>, vector<512x128xbf16>
    %dot_general3A_175 = arith.constant dense<0.000000e+00> : vector<48x128xf32>
    %dot_general3A_176 = tpu.matmul %convert_element_type3A_159, %get3A_174, %dot_general3A_175 {dimension_numbers = #tpu.dot_dimension_numbers<[1], [0], [0], [1], [0, 0, 1, 1], [], []>, transpose_lhs_hint = false} : vector<48x512xbf16>, vector<512x128xbf16>, vector<48x128xf32> -> vector<48x128xf32>
    %iota3A_177 = tpu.iota {dimensions = array<i32: 0>} : vector<48x128xi32>
    %iota3A_178 = tpu.iota {dimensions = array<i32: 1>} : vector<48x128xi32>
    %jit3A_179 = arith.constant 64 : i32
    %eq3A_180 = arith.constant 0 : i32
    %eq3A_181 = arith.cmpi eq, %jit3A_179, %eq3A_180 : i32
    %jit3A_182 = arith.constant 1 : i32
    %select_n3A_183 = arith.select %eq3A_181, %jit3A_182, %jit3A_179 : i32
    %rem3A_184 = vector.broadcast %select_n3A_183 : i32 to vector<48x128xi32>
    %rem3A_185 = arith.remsi %iota3A_178, %rem3A_184 : vector<48x128xi32>
    %ne3A_186 = arith.constant 0 : i32
    %ne3A_187 = vector.broadcast %ne3A_186 : i32 to vector<48x128xi32>
    %ne3A_188 = arith.cmpi ne, %rem3A_185, %ne3A_187 : vector<48x128xi32>
    %lt3A_189 = arith.constant 0 : i32
    %lt3A_190 = vector.broadcast %lt3A_189 : i32 to vector<48x128xi32>
    %lt3A_191 = arith.cmpi slt, %rem3A_185, %lt3A_190 : vector<48x128xi32>
    %lt3A_192 = arith.constant 0 : i32
    %lt3A_193 = arith.cmpi slt, %select_n3A_183, %lt3A_192 : i32
    %ne3A_194 = vector.broadcast %lt3A_193 : i1 to vector<48x128xi1>
    %ne3A_195 = vector.broadcast %ne3A_194 : vector<48x128xi1> to vector<48x128xi1>
    %ne3A_196 = arith.xori %lt3A_191, %ne3A_195 : vector<48x128xi1>
    %and3A_197 = arith.andi %ne3A_196, %ne3A_188 : vector<48x128xi1>
    %add3A_198 = vector.broadcast %select_n3A_183 : i32 to vector<48x128xi32>
    %add3A_199 = arith.addi %rem3A_185, %add3A_198 : vector<48x128xi32>
    %select_n3A_200 = arith.select %and3A_197, %add3A_199, %rem3A_185 : vector<48x128xi1>, vector<48x128xi32>
    %eq3A_201 = arith.cmpi eq, %iota3A_177, %select_n3A_200 : vector<48x128xi32>
    %jit3A_202 = arith.constant 0.000000e+00 : f32
    %broadcast_in_dim3A_203 = vector.broadcast %jit3A_202 : f32 to vector<48x128xf32>
    %select_n3A_204 = arith.select %eq3A_201, %dot_general3A_176, %broadcast_in_dim3A_203 : vector<48x128xi1>, vector<48x128xf32>
    %reduce_sum3A_205 = arith.constant dense<0.000000e+00> : vector<128xf32>
    %reduce_sum3A_206 = vector.multi_reduction <add>, %select_n3A_204, %reduce_sum3A_205 [0] : vector<48x128xf32> to vector<128xf32>
    %broadcast_in_dim3A_207 = vector.shape_cast %reduce_sum3A_206 : vector<128xf32> to vector<1x128xf32>
    %lt3A_208 = arith.constant 48 : i32
    %lt3A_209 = vector.broadcast %lt3A_208 : i32 to vector<1x128xi32>
    %lt3A_210 = arith.cmpi slt, %select_n3A_149, %lt3A_209 : vector<1x128xi32>
    %and3A_211 = arith.andi %lt3A_210, %lt3A_152 : vector<1x128xi1>
    %add3A_212 = vector.broadcast %broadcast_in_dim3A_207 : vector<1x128xf32> to vector<160x128xf32>
    %add3A_213 = arith.addf %dot_general3A_171, %add3A_212 : vector<160x128xf32>
    %log3A = math.log %concatenate3A : vector<160x128xf32>
    %sub3A = arith.subf %add3A_213, %log3A : vector<160x128xf32>
    %jit3A_214 = arith.constant 0.000000e+00 : f32
    %broadcast_in_dim3A_215 = vector.shape_cast %and3A_211 : vector<1x128xi1> to vector<1x128xi1>
    %broadcast_in_dim3A_216 = vector.broadcast %broadcast_in_dim3A_215 : vector<1x128xi1> to vector<160x128xi1>
    %broadcast_in_dim3A_217 = vector.broadcast %jit3A_214 : f32 to vector<160x128xf32>
    %select_n3A_218 = arith.select %broadcast_in_dim3A_216, %sub3A, %broadcast_in_dim3A_217 : vector<160x128xi1>, vector<160x128xf32>
    %swap3A_219 = arith.constant 0 : index
    %swap3A_220 = arith.constant 0 : index
    %swap3A_221 = arith.constant 0 : index
    %swap3A_222 = arith.constant 0 : index
    %swap3A_223 = vector.load %arg14[%swap3A_219, %swap3A_220, %swap3A_221, %swap3A_222] : memref<1x1x160x128xf32, #tpu.memory_space<vmem>>, vector<1x1x160x128xf32>
    %swap3A_224 = vector.shape_cast %swap3A_223 : vector<1x1x160x128xf32> to vector<160x128xf32>
    %swap3A_225 = vector.shape_cast %select_n3A_218 : vector<160x128xf32> to vector<1x1x160x128xf32>
    tpu.vector_store %arg14[%swap3A_219, %swap3A_220, %swap3A_221, %swap3A_222], %swap3A_225 {strides = array<i32>} : memref<1x1x160x128xf32, #tpu.memory_space<vmem>>, vector<1x1x160x128xf32>,
    %get3A_226 = arith.index_cast %arg0 : i32 to index
    %get3A_227 = arith.index_cast %arg1 : i32 to index
    %get3A_228 = memref.load %arg13[%get3A_226, %get3A_227] : memref<2x8xi32, #tpu.memory_space<smem>>
    %add3A_229 = arith.constant 4 : i32
    %add3A_230 = arith.addi %get3A_228, %add3A_229 : i32
    %jit3A_231 = arith.constant 4 : i32
    %div3A = arith.divsi %add3A_230, %jit3A_231 : i32
    %sign3A = arith.constant 0 : i32
    %sign3A_232 = arith.cmpi sgt, %add3A_230, %sign3A : i32
    %sign3A_233 = arith.extui %sign3A_232 : i1 to i32
    %sign3A_234 = arith.constant 0 : i32
    %sign3A_235 = arith.cmpi slt, %add3A_230, %sign3A_234 : i32
    %sign3A_236 = arith.extui %sign3A_235 : i1 to i32
    %sign3A_237 = arith.subi %sign3A_233, %sign3A_236 : i32
    %sign3A_238 = arith.constant 0 : i32
    %sign3A_239 = arith.cmpi sgt, %jit3A_231, %sign3A_238 : i32
    %sign3A_240 = arith.extui %sign3A_239 : i1 to i32
    %sign3A_241 = arith.constant 0 : i32
    %sign3A_242 = arith.cmpi slt, %jit3A_231, %sign3A_241 : i32
    %sign3A_243 = arith.extui %sign3A_242 : i1 to i32
    %sign3A_244 = arith.subi %sign3A_240, %sign3A_243 : i32
    %ne3A_245 = arith.cmpi ne, %sign3A_237, %sign3A_244 : i32
    %rem3A_246 = arith.remsi %add3A_230, %jit3A_231 : i32
    %ne3A_247 = arith.constant 0 : i32
    %ne3A_248 = arith.cmpi ne, %rem3A_246, %ne3A_247 : i32
    %and3A_249 = arith.andi %ne3A_245, %ne3A_248 : i1
    %sub3A_250 = arith.constant 1 : i32
    %sub3A_251 = arith.subi %div3A, %sub3A_250 : i32
    %select_n3A_252 = arith.select %and3A_249, %sub3A_251, %div3A : i32
    %while3A = arith.constant 0 : i32
    %while3A_253 = arith.constant 0 : i32
    %while3A_254 = arith.subi %select_n3A_252, %while3A : i32
    %while3A_255 = arith.addi %while3A, %while3A_254 : i32
    %while3A_256 = arith.constant 1 : i32
    %while3A_257 = arith.divsi %while3A_254, %while3A_256 : i32
    %while3A_258 = arith.muli %while3A_257, %while3A_256 : i32
    %while3A_259 = arith.addi %while3A, %while3A_258 : i32
    %while3A_260 = arith.constant 1 : i32
    %while3A_261 = scf.for %while3A_274 = %while3A to %while3A_259 step %while3A_260 iter_args(%while3A_275 = %while3A_253) -> (i32)  : i32 {
      %mul3A_276 = arith.constant 4 : i32
      %mul3A_277 = arith.muli %while3A_274, %mul3A_276 : i32
      %add3A_278 = arith.constant 0 : i32
      %add3A_279 = arith.addi %mul3A_277, %add3A_278 : i32
      %get3A_280 = arith.index_cast %add3A_279 : i32 to index
      %get3A_281 = arith.constant 0 : index
      %get3A_282 = vector.load %arg19[%get3A_280, %get3A_281] : memref<48x512xf32, #tpu.memory_space<vmem>>, vector<1x512xf32>
      %convert_element_type3A_283 = arith.truncf %get3A_282 : vector<1x512xf32> to vector<1x512xbf16>
      %eq3A_284 = vector.broadcast %add3A_279 : i32 to vector<1x128xi32>
      %eq3A_285 = arith.cmpi eq, %select_n3A_149, %eq3A_284 : vector<1x128xi32>
      %and3A_286 = arith.andi %eq3A_285, %lt3A_152 : vector<1x128xi1>
      %get3A_287 = arith.constant 0 : index
      %get3A_288 = arith.constant 0 : index
      %get3A_289 = vector.load %arg17[%get3A_287, %get3A_288] : memref<160x512xbf16, #tpu.memory_space<vmem>>, vector<160x512xbf16>
      %add3A_290 = vector.broadcast %convert_element_type3A_283 : vector<1x512xbf16> to vector<160x512xbf16>
      %add3A_291 = arith.addf %get3A_289, %add3A_290 : vector<160x512xbf16>
      %tanh3A = math.tanh %add3A_291 : vector<160x512xbf16>
      %get3A_292 = arith.constant 0 : index
      %get3A_293 = arith.constant 0 : index
      %get3A_294 = arith.constant 0 : index
      %get3A_295 = vector.load %arg9[%get3A_292, %get3A_293, %get3A_294] : memref<1x512x512xbf16, #tpu.memory_space<vmem>>, vector<1x512x512xbf16>
      %get3A_296 = vector.shape_cast %get3A_295 : vector<1x512x512xbf16> to vector<512x512xbf16>
      %dot_general3A_297 = arith.constant dense<0.000000e+00> : vector<160x512xf32>
      %dot_general3A_298 = tpu.matmul %tanh3A, %get3A_296, %dot_general3A_297 {dimension_numbers = #tpu.dot_dimension_numbers<[1], [0], [0], [1], [0, 0, 1, 1], [], []>, transpose_lhs_hint = false} : vector<160x512xbf16>, vector<512x512xbf16>, vector<160x512xf32> -> vector<160x512xf32>
      %convert_element_type3A_299 = arith.truncf %dot_general3A_298 : vector<160x512xf32> to vector<160x512xbf16>
      %exp3A_300 = math.exp %convert_element_type3A_299 : vector<160x512xbf16>
      %get3A_301 = arith.constant 0 : index
      %get3A_302 = arith.constant 0 : index
      %get3A_303 = vector.load %arg21[%get3A_301, %get3A_302] : memref<512x128xbf16, #tpu.memory_space<vmem>>, vector<512x128xbf16>
      %dot_general3A_304 = arith.constant dense<0.000000e+00> : vector<160x128xf32>
      %dot_general3A_305 = tpu.matmul %exp3A_300, %get3A_303, %dot_general3A_304 {dimension_numbers = #tpu.dot_dimension_numbers<[1], [0], [0], [1], [0, 0, 1, 1], [], []>, transpose_lhs_hint = false} : vector<160x512xbf16>, vector<512x128xbf16>, vector<160x128xf32> -> vector<160x128xf32>
      %log3A_306 = math.log %dot_general3A_305 : vector<160x128xf32>
      %get3A_307 = arith.constant 0 : index
      %get3A_308 = arith.constant 0 : index
      %get3A_309 = vector.load %arg22[%get3A_307, %get3A_308] : memref<160x128xf32, #tpu.memory_space<vmem>>, vector<160x128xf32>
      %slice3A = vector.extract_strided_slice %log3A_306 {offsets = [0, 120], sizes = [160, 1], strides = [1, 1]} : vector<160x128xf32> to vector<160x1xf32>
      %sub3A_310 = vector.broadcast %slice3A : vector<160x1xf32> to vector<160x128xf32>
      %sub3A_311 = arith.subf %log3A_306, %sub3A_310 : vector<160x128xf32>
      %jit3A_312 = arith.constant 0.000000e+00 : f32
      %broadcast_in_dim3A_313 = vector.shape_cast %and3A_286 : vector<1x128xi1> to vector<1x128xi1>
      %broadcast_in_dim3A_314 = vector.broadcast %broadcast_in_dim3A_313 : vector<1x128xi1> to vector<160x128xi1>
      %broadcast_in_dim3A_315 = vector.broadcast %jit3A_312 : f32 to vector<160x128xf32>
      %select_n3A_316 = arith.select %broadcast_in_dim3A_314, %sub3A_311, %broadcast_in_dim3A_315 : vector<160x128xi1>, vector<160x128xf32>
      %add3A_317 = arith.addf %get3A_309, %select_n3A_316 : vector<160x128xf32>
      %swap3A_318 = arith.constant 0 : index
      %swap3A_319 = arith.constant 0 : index
      %swap3A_320 = vector.load %arg22[%swap3A_318, %swap3A_319] : memref<160x128xf32, #tpu.memory_space<vmem>>, vector<160x128xf32>
      tpu.vector_store %arg22[%swap3A_318, %swap3A_319], %add3A_317 {strides = array<i32>} : memref<160x128xf32, #tpu.memory_space<vmem>>, vector<160x128xf32>,
      %mul3A_321 = arith.constant 4 : i32
      %mul3A_322 = arith.muli %while3A_274, %mul3A_321 : i32
      %add3A_323 = arith.constant 1 : i32
      %add3A_324 = arith.addi %mul3A_322, %add3A_323 : i32
      %get3A_325 = arith.index_cast %add3A_324 : i32 to index
      %get3A_326 = arith.constant 0 : index
      %get3A_327 = vector.load %arg19[%get3A_325, %get3A_326] : memref<48x512xf32, #tpu.memory_space<vmem>>, vector<1x512xf32>
      %convert_element_type3A_328 = arith.truncf %get3A_327 : vector<1x512xf32> to vector<1x512xbf16>
      %eq3A_329 = vector.broadcast %add3A_324 : i32 to vector<1x128xi32>
      %eq3A_330 = arith.cmpi eq, %select_n3A_149, %eq3A_329 : vector<1x128xi32>
      %and3A_331 = arith.andi %eq3A_330, %lt3A_152 : vector<1x128xi1>
      %get3A_332 = arith.constant 0 : index
      %get3A_333 = arith.constant 0 : index
      %get3A_334 = vector.load %arg17[%get3A_332, %get3A_333] : memref<160x512xbf16, #tpu.memory_space<vmem>>, vector<160x512xbf16>
      %add3A_335 = vector.broadcast %convert_element_type3A_328 : vector<1x512xbf16> to vector<160x512xbf16>
      %add3A_336 = arith.addf %get3A_334, %add3A_335 : vector<160x512xbf16>
      %tanh3A_337 = math.tanh %add3A_336 : vector<160x512xbf16>
      %get3A_338 = arith.constant 0 : index
      %get3A_339 = arith.constant 0 : index
      %get3A_340 = arith.constant 0 : index
      %get3A_341 = vector.load %arg9[%get3A_338, %get3A_339, %get3A_340] : memref<1x512x512xbf16, #tpu.memory_space<vmem>>, vector<1x512x512xbf16>
      %get3A_342 = vector.shape_cast %get3A_341 : vector<1x512x512xbf16> to vector<512x512xbf16>
      %dot_general3A_343 = arith.constant dense<0.000000e+00> : vector<160x512xf32>
      %dot_general3A_344 = tpu.matmul %tanh3A_337, %get3A_342, %dot_general3A_343 {dimension_numbers = #tpu.dot_dimension_numbers<[1], [0], [0], [1], [0, 0, 1, 1], [], []>, transpose_lhs_hint = false} : vector<160x512xbf16>, vector<512x512xbf16>, vector<160x512xf32> -> vector<160x512xf32>
      %convert_element_type3A_345 = arith.truncf %dot_general3A_344 : vector<160x512xf32> to vector<160x512xbf16>
      %exp3A_346 = math.exp %convert_element_type3A_345 : vector<160x512xbf16>
      %get3A_347 = arith.constant 0 : index
      %get3A_348 = arith.constant 0 : index
      %get3A_349 = vector.load %arg21[%get3A_347, %get3A_348] : memref<512x128xbf16, #tpu.memory_space<vmem>>, vector<512x128xbf16>
      %dot_general3A_350 = arith.constant dense<0.000000e+00> : vector<160x128xf32>
      %dot_general3A_351 = tpu.matmul %exp3A_346, %get3A_349, %dot_general3A_350 {dimension_numbers = #tpu.dot_dimension_numbers<[1], [0], [0], [1], [0, 0, 1, 1], [], []>, transpose_lhs_hint = false} : vector<160x512xbf16>, vector<512x128xbf16>, vector<160x128xf32> -> vector<160x128xf32>
      %log3A_352 = math.log %dot_general3A_351 : vector<160x128xf32>
      %get3A_353 = arith.constant 0 : index
      %get3A_354 = arith.constant 0 : index
      %get3A_355 = vector.load %arg22[%get3A_353, %get3A_354] : memref<160x128xf32, #tpu.memory_space<vmem>>, vector<160x128xf32>
      %slice3A_356 = vector.extract_strided_slice %log3A_352 {offsets = [0, 120], sizes = [160, 1], strides = [1, 1]} : vector<160x128xf32> to vector<160x1xf32>
      %sub3A_357 = vector.broadcast %slice3A_356 : vector<160x1xf32> to vector<160x128xf32>
      %sub3A_358 = arith.subf %log3A_352, %sub3A_357 : vector<160x128xf32>
      %jit3A_359 = arith.constant 0.000000e+00 : f32
      %broadcast_in_dim3A_360 = vector.shape_cast %and3A_331 : vector<1x128xi1> to vector<1x128xi1>
      %broadcast_in_dim3A_361 = vector.broadcast %broadcast_in_dim3A_360 : vector<1x128xi1> to vector<160x128xi1>
      %broadcast_in_dim3A_362 = vector.broadcast %jit3A_359 : f32 to vector<160x128xf32>
      %select_n3A_363 = arith.select %broadcast_in_dim3A_361, %sub3A_358, %broadcast_in_dim3A_362 : vector<160x128xi1>, vector<160x128xf32>
      %add3A_364 = arith.addf %get3A_355, %select_n3A_363 : vector<160x128xf32>
      %swap3A_365 = arith.constant 0 : index
      %swap3A_366 = arith.constant 0 : index
      %swap3A_367 = vector.load %arg22[%swap3A_365, %swap3A_366] : memref<160x128xf32, #tpu.memory_space<vmem>>, vector<160x128xf32>
      tpu.vector_store %arg22[%swap3A_365, %swap3A_366], %add3A_364 {strides = array<i32>} : memref<160x128xf32, #tpu.memory_space<vmem>>, vector<160x128xf32>,
      %mul3A_368 = arith.constant 4 : i32
      %mul3A_369 = arith.muli %while3A_274, %mul3A_368 : i32
      %add3A_370 = arith.constant 2 : i32
      %add3A_371 = arith.addi %mul3A_369, %add3A_370 : i32
      %get3A_372 = arith.index_cast %add3A_371 : i32 to index
      %get3A_373 = arith.constant 0 : index
      %get3A_374 = vector.load %arg19[%get3A_372, %get3A_373] : memref<48x512xf32, #tpu.memory_space<vmem>>, vector<1x512xf32>
      %convert_element_type3A_375 = arith.truncf %get3A_374 : vector<1x512xf32> to vector<1x512xbf16>
      %eq3A_376 = vector.broadcast %add3A_371 : i32 to vector<1x128xi32>
      %eq3A_377 = arith.cmpi eq, %select_n3A_149, %eq3A_376 : vector<1x128xi32>
      %and3A_378 = arith.andi %eq3A_377, %lt3A_152 : vector<1x128xi1>
      %get3A_379 = arith.constant 0 : index
      %get3A_380 = arith.constant 0 : index
      %get3A_381 = vector.load %arg17[%get3A_379, %get3A_380] : memref<160x512xbf16, #tpu.memory_space<vmem>>, vector<160x512xbf16>
      %add3A_382 = vector.broadcast %convert_element_type3A_375 : vector<1x512xbf16> to vector<160x512xbf16>
      %add3A_383 = arith.addf %get3A_381, %add3A_382 : vector<160x512xbf16>
      %tanh3A_384 = math.tanh %add3A_383 : vector<160x512xbf16>
      %get3A_385 = arith.constant 0 : index
      %get3A_386 = arith.constant 0 : index
      %get3A_387 = arith.constant 0 : index
      %get3A_388 = vector.load %arg9[%get3A_385, %get3A_386, %get3A_387] : memref<1x512x512xbf16, #tpu.memory_space<vmem>>, vector<1x512x512xbf16>
      %get3A_389 = vector.shape_cast %get3A_388 : vector<1x512x512xbf16> to vector<512x512xbf16>
      %dot_general3A_390 = arith.constant dense<0.000000e+00> : vector<160x512xf32>
      %dot_general3A_391 = tpu.matmul %tanh3A_384, %get3A_389, %dot_general3A_390 {dimension_numbers = #tpu.dot_dimension_numbers<[1], [0], [0], [1], [0, 0, 1, 1], [], []>, transpose_lhs_hint = false} : vector<160x512xbf16>, vector<512x512xbf16>, vector<160x512xf32> -> vector<160x512xf32>
      %convert_element_type3A_392 = arith.truncf %dot_general3A_391 : vector<160x512xf32> to vector<160x512xbf16>
      %exp3A_393 = math.exp %convert_element_type3A_392 : vector<160x512xbf16>
      %get3A_394 = arith.constant 0 : index
      %get3A_395 = arith.constant 0 : index
      %get3A_396 = vector.load %arg21[%get3A_394, %get3A_395] : memref<512x128xbf16, #tpu.memory_space<vmem>>, vector<512x128xbf16>
      %dot_general3A_397 = arith.constant dense<0.000000e+00> : vector<160x128xf32>
      %dot_general3A_398 = tpu.matmul %exp3A_393, %get3A_396, %dot_general3A_397 {dimension_numbers = #tpu.dot_dimension_numbers<[1], [0], [0], [1], [0, 0, 1, 1], [], []>, transpose_lhs_hint = false} : vector<160x512xbf16>, vector<512x128xbf16>, vector<160x128xf32> -> vector<160x128xf32>
      %log3A_399 = math.log %dot_general3A_398 : vector<160x128xf32>
      %get3A_400 = arith.constant 0 : index
      %get3A_401 = arith.constant 0 : index
      %get3A_402 = vector.load %arg22[%get3A_400, %get3A_401] : memref<160x128xf32, #tpu.memory_space<vmem>>, vector<160x128xf32>
      %slice3A_403 = vector.extract_strided_slice %log3A_399 {offsets = [0, 120], sizes = [160, 1], strides = [1, 1]} : vector<160x128xf32> to vector<160x1xf32>
      %sub3A_404 = vector.broadcast %slice3A_403 : vector<160x1xf32> to vector<160x128xf32>
      %sub3A_405 = arith.subf %log3A_399, %sub3A_404 : vector<160x128xf32>
      %jit3A_406 = arith.constant 0.000000e+00 : f32
      %broadcast_in_dim3A_407 = vector.shape_cast %and3A_378 : vector<1x128xi1> to vector<1x128xi1>
      %broadcast_in_dim3A_408 = vector.broadcast %broadcast_in_dim3A_407 : vector<1x128xi1> to vector<160x128xi1>
      %broadcast_in_dim3A_409 = vector.broadcast %jit3A_406 : f32 to vector<160x128xf32>
      %select_n3A_410 = arith.select %broadcast_in_dim3A_408, %sub3A_405, %broadcast_in_dim3A_409 : vector<160x128xi1>, vector<160x128xf32>
      %add3A_411 = arith.addf %get3A_402, %select_n3A_410 : vector<160x128xf32>
      %swap3A_412 = arith.constant 0 : index
      %swap3A_413 = arith.constant 0 : index
      %swap3A_414 = vector.load %arg22[%swap3A_412, %swap3A_413] : memref<160x128xf32, #tpu.memory_space<vmem>>, vector<160x128xf32>
      tpu.vector_store %arg22[%swap3A_412, %swap3A_413], %add3A_411 {strides = array<i32>} : memref<160x128xf32, #tpu.memory_space<vmem>>, vector<160x128xf32>,
      %mul3A_415 = arith.constant 4 : i32
      %mul3A_416 = arith.muli %while3A_274, %mul3A_415 : i32
      %add3A_417 = arith.constant 3 : i32
      %add3A_418 = arith.addi %mul3A_416, %add3A_417 : i32
      %get3A_419 = arith.index_cast %add3A_418 : i32 to index
      %get3A_420 = arith.constant 0 : index
      %get3A_421 = vector.load %arg19[%get3A_419, %get3A_420] : memref<48x512xf32, #tpu.memory_space<vmem>>, vector<1x512xf32>
      %convert_element_type3A_422 = arith.truncf %get3A_421 : vector<1x512xf32> to vector<1x512xbf16>
      %eq3A_423 = vector.broadcast %add3A_418 : i32 to vector<1x128xi32>
      %eq3A_424 = arith.cmpi eq, %select_n3A_149, %eq3A_423 : vector<1x128xi32>
      %and3A_425 = arith.andi %eq3A_424, %lt3A_152 : vector<1x128xi1>
      %get3A_426 = arith.constant 0 : index
      %get3A_427 = arith.constant 0 : index
      %get3A_428 = vector.load %arg17[%get3A_426, %get3A_427] : memref<160x512xbf16, #tpu.memory_space<vmem>>, vector<160x512xbf16>
      %add3A_429 = vector.broadcast %convert_element_type3A_422 : vector<1x512xbf16> to vector<160x512xbf16>
      %add3A_430 = arith.addf %get3A_428, %add3A_429 : vector<160x512xbf16>
      %tanh3A_431 = math.tanh %add3A_430 : vector<160x512xbf16>
      %get3A_432 = arith.constant 0 : index
      %get3A_433 = arith.constant 0 : index
      %get3A_434 = arith.constant 0 : index
      %get3A_435 = vector.load %arg9[%get3A_432, %get3A_433, %get3A_434] : memref<1x512x512xbf16, #tpu.memory_space<vmem>>, vector<1x512x512xbf16>
      %get3A_436 = vector.shape_cast %get3A_435 : vector<1x512x512xbf16> to vector<512x512xbf16>
      %dot_general3A_437 = arith.constant dense<0.000000e+00> : vector<160x512xf32>
      %dot_general3A_438 = tpu.matmul %tanh3A_431, %get3A_436, %dot_general3A_437 {dimension_numbers = #tpu.dot_dimension_numbers<[1], [0], [0], [1], [0, 0, 1, 1], [], []>, transpose_lhs_hint = false} : vector<160x512xbf16>, vector<512x512xbf16>, vector<160x512xf32> -> vector<160x512xf32>
      %convert_element_type3A_439 = arith.truncf %dot_general3A_438 : vector<160x512xf32> to vector<160x512xbf16>
      %exp3A_440 = math.exp %convert_element_type3A_439 : vector<160x512xbf16>
      %get3A_441 = arith.constant 0 : index
      %get3A_442 = arith.constant 0 : index
      %get3A_443 = vector.load %arg21[%get3A_441, %get3A_442] : memref<512x128xbf16, #tpu.memory_space<vmem>>, vector<512x128xbf16>
      %dot_general3A_444 = arith.constant dense<0.000000e+00> : vector<160x128xf32>
      %dot_general3A_445 = tpu.matmul %exp3A_440, %get3A_443, %dot_general3A_444 {dimension_numbers = #tpu.dot_dimension_numbers<[1], [0], [0], [1], [0, 0, 1, 1], [], []>, transpose_lhs_hint = false} : vector<160x512xbf16>, vector<512x128xbf16>, vector<160x128xf32> -> vector<160x128xf32>
      %log3A_446 = math.log %dot_general3A_445 : vector<160x128xf32>
      %get3A_447 = arith.constant 0 : index
      %get3A_448 = arith.constant 0 : index
      %get3A_449 = vector.load %arg22[%get3A_447, %get3A_448] : memref<160x128xf32, #tpu.memory_space<vmem>>, vector<160x128xf32>
      %slice3A_450 = vector.extract_strided_slice %log3A_446 {offsets = [0, 120], sizes = [160, 1], strides = [1, 1]} : vector<160x128xf32> to vector<160x1xf32>
      %sub3A_451 = vector.broadcast %slice3A_450 : vector<160x1xf32> to vector<160x128xf32>
      %sub3A_452 = arith.subf %log3A_446, %sub3A_451 : vector<160x128xf32>
      %jit3A_453 = arith.constant 0.000000e+00 : f32
      %broadcast_in_dim3A_454 = vector.shape_cast %and3A_425 : vector<1x128xi1> to vector<1x128xi1>
      %broadcast_in_dim3A_455 = vector.broadcast %broadcast_in_dim3A_454 : vector<1x128xi1> to vector<160x128xi1>
      %broadcast_in_dim3A_456 = vector.broadcast %jit3A_453 : f32 to vector<160x128xf32>
      %select_n3A_457 = arith.select %broadcast_in_dim3A_455, %sub3A_452, %broadcast_in_dim3A_456 : vector<160x128xi1>, vector<160x128xf32>
      %add3A_458 = arith.addf %get3A_449, %select_n3A_457 : vector<160x128xf32>
      %swap3A_459 = arith.constant 0 : index
      %swap3A_460 = arith.constant 0 : index
      %swap3A_461 = vector.load %arg22[%swap3A_459, %swap3A_460] : memref<160x128xf32, #tpu.memory_space<vmem>>, vector<160x128xf32>
      tpu.vector_store %arg22[%swap3A_459, %swap3A_460], %add3A_458 {strides = array<i32>} : memref<160x128xf32, #tpu.memory_space<vmem>>, vector<160x128xf32>,
      %while3A_462 = arith.constant 0 : i32
      scf.yield %while3A_462 : i32
    }
    %while3A_262 = arith.constant 1 : i32
    %while3A_263 = scf.for %while3A_274 = %while3A_259 to %while3A_255 step %while3A_262 iter_args(%while3A_275 = %while3A_261) -> (i32)  : i32 {
      %mul3A_276 = arith.constant 4 : i32
      %mul3A_277 = arith.muli %while3A_274, %mul3A_276 : i32
      %add3A_278 = arith.constant 0 : i32
      %add3A_279 = arith.addi %mul3A_277, %add3A_278 : i32
      %get3A_280 = arith.index_cast %add3A_279 : i32 to index
      %get3A_281 = arith.constant 0 : index
      %get3A_282 = vector.load %arg19[%get3A_280, %get3A_281] : memref<48x512xf32, #tpu.memory_space<vmem>>, vector<1x512xf32>
      %convert_element_type3A_283 = arith.truncf %get3A_282 : vector<1x512xf32> to vector<1x512xbf16>
      %eq3A_284 = vector.broadcast %add3A_279 : i32 to vector<1x128xi32>
      %eq3A_285 = arith.cmpi eq, %select_n3A_149, %eq3A_284 : vector<1x128xi32>
      %and3A_286 = arith.andi %eq3A_285, %lt3A_152 : vector<1x128xi1>
      %get3A_287 = arith.constant 0 : index
      %get3A_288 = arith.constant 0 : index
      %get3A_289 = vector.load %arg17[%get3A_287, %get3A_288] : memref<160x512xbf16, #tpu.memory_space<vmem>>, vector<160x512xbf16>
      %add3A_290 = vector.broadcast %convert_element_type3A_283 : vector<1x512xbf16> to vector<160x512xbf16>
      %add3A_291 = arith.addf %get3A_289, %add3A_290 : vector<160x512xbf16>
      %tanh3A = math.tanh %add3A_291 : vector<160x512xbf16>
      %get3A_292 = arith.constant 0 : index
      %get3A_293 = arith.constant 0 : index
      %get3A_294 = arith.constant 0 : index
      %get3A_295 = vector.load %arg9[%get3A_292, %get3A_293, %get3A_294] : memref<1x512x512xbf16, #tpu.memory_space<vmem>>, vector<1x512x512xbf16>
      %get3A_296 = vector.shape_cast %get3A_295 : vector<1x512x512xbf16> to vector<512x512xbf16>
      %dot_general3A_297 = arith.constant dense<0.000000e+00> : vector<160x512xf32>
      %dot_general3A_298 = tpu.matmul %tanh3A, %get3A_296, %dot_general3A_297 {dimension_numbers = #tpu.dot_dimension_numbers<[1], [0], [0], [1], [0, 0, 1, 1], [], []>, transpose_lhs_hint = false} : vector<160x512xbf16>, vector<512x512xbf16>, vector<160x512xf32> -> vector<160x512xf32>
      %convert_element_type3A_299 = arith.truncf %dot_general3A_298 : vector<160x512xf32> to vector<160x512xbf16>
      %exp3A_300 = math.exp %convert_element_type3A_299 : vector<160x512xbf16>
      %get3A_301 = arith.constant 0 : index
      %get3A_302 = arith.constant 0 : index
      %get3A_303 = vector.load %arg21[%get3A_301, %get3A_302] : memref<512x128xbf16, #tpu.memory_space<vmem>>, vector<512x128xbf16>
      %dot_general3A_304 = arith.constant dense<0.000000e+00> : vector<160x128xf32>
      %dot_general3A_305 = tpu.matmul %exp3A_300, %get3A_303, %dot_general3A_304 {dimension_numbers = #tpu.dot_dimension_numbers<[1], [0], [0], [1], [0, 0, 1, 1], [], []>, transpose_lhs_hint = false} : vector<160x512xbf16>, vector<512x128xbf16>, vector<160x128xf32> -> vector<160x128xf32>
      %log3A_306 = math.log %dot_general3A_305 : vector<160x128xf32>
      %get3A_307 = arith.constant 0 : index
      %get3A_308 = arith.constant 0 : index
      %get3A_309 = vector.load %arg22[%get3A_307, %get3A_308] : memref<160x128xf32, #tpu.memory_space<vmem>>, vector<160x128xf32>
      %slice3A = vector.extract_strided_slice %log3A_306 {offsets = [0, 120], sizes = [160, 1], strides = [1, 1]} : vector<160x128xf32> to vector<160x1xf32>
      %sub3A_310 = vector.broadcast %slice3A : vector<160x1xf32> to vector<160x128xf32>
      %sub3A_311 = arith.subf %log3A_306, %sub3A_310 : vector<160x128xf32>
      %jit3A_312 = arith.constant 0.000000e+00 : f32
      %broadcast_in_dim3A_313 = vector.shape_cast %and3A_286 : vector<1x128xi1> to vector<1x128xi1>
      %broadcast_in_dim3A_314 = vector.broadcast %broadcast_in_dim3A_313 : vector<1x128xi1> to vector<160x128xi1>
      %broadcast_in_dim3A_315 = vector.broadcast %jit3A_312 : f32 to vector<160x128xf32>
      %select_n3A_316 = arith.select %broadcast_in_dim3A_314, %sub3A_311, %broadcast_in_dim3A_315 : vector<160x128xi1>, vector<160x128xf32>
      %add3A_317 = arith.addf %get3A_309, %select_n3A_316 : vector<160x128xf32>
      %swap3A_318 = arith.constant 0 : index
      %swap3A_319 = arith.constant 0 : index
      %swap3A_320 = vector.load %arg22[%swap3A_318, %swap3A_319] : memref<160x128xf32, #tpu.memory_space<vmem>>, vector<160x128xf32>
      tpu.vector_store %arg22[%swap3A_318, %swap3A_319], %add3A_317 {strides = array<i32>} : memref<160x128xf32, #tpu.memory_space<vmem>>, vector<160x128xf32>,
      %mul3A_321 = arith.constant 4 : i32
      %mul3A_322 = arith.muli %while3A_274, %mul3A_321 : i32
      %add3A_323 = arith.constant 1 : i32
      %add3A_324 = arith.addi %mul3A_322, %add3A_323 : i32
      %get3A_325 = arith.index_cast %add3A_324 : i32 to index
      %get3A_326 = arith.constant 0 : index
      %get3A_327 = vector.load %arg19[%get3A_325, %get3A_326] : memref<48x512xf32, #tpu.memory_space<vmem>>, vector<1x512xf32>
      %convert_element_type3A_328 = arith.truncf %get3A_327 : vector<1x512xf32> to vector<1x512xbf16>
      %eq3A_329 = vector.broadcast %add3A_324 : i32 to vector<1x128xi32>
      %eq3A_330 = arith.cmpi eq, %select_n3A_149, %eq3A_329 : vector<1x128xi32>
      %and3A_331 = arith.andi %eq3A_330, %lt3A_152 : vector<1x128xi1>
      %get3A_332 = arith.constant 0 : index
      %get3A_333 = arith.constant 0 : index
      %get3A_334 = vector.load %arg17[%get3A_332, %get3A_333] : memref<160x512xbf16, #tpu.memory_space<vmem>>, vector<160x512xbf16>
      %add3A_335 = vector.broadcast %convert_element_type3A_328 : vector<1x512xbf16> to vector<160x512xbf16>
      %add3A_336 = arith.addf %get3A_334, %add3A_335 : vector<160x512xbf16>
      %tanh3A_337 = math.tanh %add3A_336 : vector<160x512xbf16>
      %get3A_338 = arith.constant 0 : index
      %get3A_339 = arith.constant 0 : index
      %get3A_340 = arith.constant 0 : index
      %get3A_341 = vector.load %arg9[%get3A_338, %get3A_339, %get3A_340] : memref<1x512x512xbf16, #tpu.memory_space<vmem>>, vector<1x512x512xbf16>
      %get3A_342 = vector.shape_cast %get3A_341 : vector<1x512x512xbf16> to vector<512x512xbf16>
      %dot_general3A_343 = arith.constant dense<0.000000e+00> : vector<160x512xf32>
      %dot_general3A_344 = tpu.matmul %tanh3A_337, %get3A_342, %dot_general3A_343 {dimension_numbers = #tpu.dot_dimension_numbers<[1], [0], [0], [1], [0, 0, 1, 1], [], []>, transpose_lhs_hint = false} : vector<160x512xbf16>, vector<512x512xbf16>, vector<160x512xf32> -> vector<160x512xf32>
      %convert_element_type3A_345 = arith.truncf %dot_general3A_344 : vector<160x512xf32> to vector<160x512xbf16>
      %exp3A_346 = math.exp %convert_element_type3A_345 : vector<160x512xbf16>
      %get3A_347 = arith.constant 0 : index
      %get3A_348 = arith.constant 0 : index
      %get3A_349 = vector.load %arg21[%get3A_347, %get3A_348] : memref<512x128xbf16, #tpu.memory_space<vmem>>, vector<512x128xbf16>
      %dot_general3A_350 = arith.constant dense<0.000000e+00> : vector<160x128xf32>
      %dot_general3A_351 = tpu.matmul %exp3A_346, %get3A_349, %dot_general3A_350 {dimension_numbers = #tpu.dot_dimension_numbers<[1], [0], [0], [1], [0, 0, 1, 1], [], []>, transpose_lhs_hint = false} : vector<160x512xbf16>, vector<512x128xbf16>, vector<160x128xf32> -> vector<160x128xf32>
      %log3A_352 = math.log %dot_general3A_351 : vector<160x128xf32>
      %get3A_353 = arith.constant 0 : index
      %get3A_354 = arith.constant 0 : index
      %get3A_355 = vector.load %arg22[%get3A_353, %get3A_354] : memref<160x128xf32, #tpu.memory_space<vmem>>, vector<160x128xf32>
      %slice3A_356 = vector.extract_strided_slice %log3A_352 {offsets = [0, 120], sizes = [160, 1], strides = [1, 1]} : vector<160x128xf32> to vector<160x1xf32>
      %sub3A_357 = vector.broadcast %slice3A_356 : vector<160x1xf32> to vector<160x128xf32>
      %sub3A_358 = arith.subf %log3A_352, %sub3A_357 : vector<160x128xf32>
      %jit3A_359 = arith.constant 0.000000e+00 : f32
      %broadcast_in_dim3A_360 = vector.shape_cast %and3A_331 : vector<1x128xi1> to vector<1x128xi1>
      %broadcast_in_dim3A_361 = vector.broadcast %broadcast_in_dim3A_360 : vector<1x128xi1> to vector<160x128xi1>
      %broadcast_in_dim3A_362 = vector.broadcast %jit3A_359 : f32 to vector<160x128xf32>
      %select_n3A_363 = arith.select %broadcast_in_dim3A_361, %sub3A_358, %broadcast_in_dim3A_362 : vector<160x128xi1>, vector<160x128xf32>
      %add3A_364 = arith.addf %get3A_355, %select_n3A_363 : vector<160x128xf32>
      %swap3A_365 = arith.constant 0 : index
      %swap3A_366 = arith.constant 0 : index
      %swap3A_367 = vector.load %arg22[%swap3A_365, %swap3A_366] : memref<160x128xf32, #tpu.memory_space<vmem>>, vector<160x128xf32>
      tpu.vector_store %arg22[%swap3A_365, %swap3A_366], %add3A_364 {strides = array<i32>} : memref<160x128xf32, #tpu.memory_space<vmem>>, vector<160x128xf32>,
      %mul3A_368 = arith.constant 4 : i32
      %mul3A_369 = arith.muli %while3A_274, %mul3A_368 : i32
      %add3A_370 = arith.constant 2 : i32
      %add3A_371 = arith.addi %mul3A_369, %add3A_370 : i32
      %get3A_372 = arith.index_cast %add3A_371 : i32 to index
      %get3A_373 = arith.constant 0 : index
      %get3A_374 = vector.load %arg19[%get3A_372, %get3A_373] : memref<48x512xf32, #tpu.memory_space<vmem>>, vector<1x512xf32>
      %convert_element_type3A_375 = arith.truncf %get3A_374 : vector<1x512xf32> to vector<1x512xbf16>
      %eq3A_376 = vector.broadcast %add3A_371 : i32 to vector<1x128xi32>
      %eq3A_377 = arith.cmpi eq, %select_n3A_149, %eq3A_376 : vector<1x128xi32>
      %and3A_378 = arith.andi %eq3A_377, %lt3A_152 : vector<1x128xi1>
      %get3A_379 = arith.constant 0 : index
      %get3A_380 = arith.constant 0 : index
      %get3A_381 = vector.load %arg17[%get3A_379, %get3A_380] : memref<160x512xbf16, #tpu.memory_space<vmem>>, vector<160x512xbf16>
      %add3A_382 = vector.broadcast %convert_element_type3A_375 : vector<1x512xbf16> to vector<160x512xbf16>
      %add3A_383 = arith.addf %get3A_381, %add3A_382 : vector<160x512xbf16>
      %tanh3A_384 = math.tanh %add3A_383 : vector<160x512xbf16>
      %get3A_385 = arith.constant 0 : index
      %get3A_386 = arith.constant 0 : index
      %get3A_387 = arith.constant 0 : index
      %get3A_388 = vector.load %arg9[%get3A_385, %get3A_386, %get3A_387] : memref<1x512x512xbf16, #tpu.memory_space<vmem>>, vector<1x512x512xbf16>
      %get3A_389 = vector.shape_cast %get3A_388 : vector<1x512x512xbf16> to vector<512x512xbf16>
      %dot_general3A_390 = arith.constant dense<0.000000e+00> : vector<160x512xf32>
      %dot_general3A_391 = tpu.matmul %tanh3A_384, %get3A_389, %dot_general3A_390 {dimension_numbers = #tpu.dot_dimension_numbers<[1], [0], [0], [1], [0, 0, 1, 1], [], []>, transpose_lhs_hint = false} : vector<160x512xbf16>, vector<512x512xbf16>, vector<160x512xf32> -> vector<160x512xf32>
      %convert_element_type3A_392 = arith.truncf %dot_general3A_391 : vector<160x512xf32> to vector<160x512xbf16>
      %exp3A_393 = math.exp %convert_element_type3A_392 : vector<160x512xbf16>
      %get3A_394 = arith.constant 0 : index
      %get3A_395 = arith.constant 0 : index
      %get3A_396 = vector.load %arg21[%get3A_394, %get3A_395] : memref<512x128xbf16, #tpu.memory_space<vmem>>, vector<512x128xbf16>
      %dot_general3A_397 = arith.constant dense<0.000000e+00> : vector<160x128xf32>
      %dot_general3A_398 = tpu.matmul %exp3A_393, %get3A_396, %dot_general3A_397 {dimension_numbers = #tpu.dot_dimension_numbers<[1], [0], [0], [1], [0, 0, 1, 1], [], []>, transpose_lhs_hint = false} : vector<160x512xbf16>, vector<512x128xbf16>, vector<160x128xf32> -> vector<160x128xf32>
      %log3A_399 = math.log %dot_general3A_398 : vector<160x128xf32>
      %get3A_400 = arith.constant 0 : index
      %get3A_401 = arith.constant 0 : index
      %get3A_402 = vector.load %arg22[%get3A_400, %get3A_401] : memref<160x128xf32, #tpu.memory_space<vmem>>, vector<160x128xf32>
      %slice3A_403 = vector.extract_strided_slice %log3A_399 {offsets = [0, 120], sizes = [160, 1], strides = [1, 1]} : vector<160x128xf32> to vector<160x1xf32>
      %sub3A_404 = vector.broadcast %slice3A_403 : vector<160x1xf32> to vector<160x128xf32>
      %sub3A_405 = arith.subf %log3A_399, %sub3A_404 : vector<160x128xf32>
      %jit3A_406 = arith.constant 0.000000e+00 : f32
      %broadcast_in_dim3A_407 = vector.shape_cast %and3A_378 : vector<1x128xi1> to vector<1x128xi1>
      %broadcast_in_dim3A_408 = vector.broadcast %broadcast_in_dim3A_407 : vector<1x128xi1> to vector<160x128xi1>
      %broadcast_in_dim3A_409 = vector.broadcast %jit3A_406 : f32 to vector<160x128xf32>
      %select_n3A_410 = arith.select %broadcast_in_dim3A_408, %sub3A_405, %broadcast_in_dim3A_409 : vector<160x128xi1>, vector<160x128xf32>
      %add3A_411 = arith.addf %get3A_402, %select_n3A_410 : vector<160x128xf32>
      %swap3A_412 = arith.constant 0 : index
      %swap3A_413 = arith.constant 0 : index
      %swap3A_414 = vector.load %arg22[%swap3A_412, %swap3A_413] : memref<160x128xf32, #tpu.memory_space<vmem>>, vector<160x128xf32>
      tpu.vector_store %arg22[%swap3A_412, %swap3A_413], %add3A_411 {strides = array<i32>} : memref<160x128xf32, #tpu.memory_space<vmem>>, vector<160x128xf32>,
      %mul3A_415 = arith.constant 4 : i32
      %mul3A_416 = arith.muli %while3A_274, %mul3A_415 : i32
      %add3A_417 = arith.constant 3 : i32
      %add3A_418 = arith.addi %mul3A_416, %add3A_417 : i32
      %get3A_419 = arith.index_cast %add3A_418 : i32 to index
      %get3A_420 = arith.constant 0 : index
      %get3A_421 = vector.load %arg19[%get3A_419, %get3A_420] : memref<48x512xf32, #tpu.memory_space<vmem>>, vector<1x512xf32>
      %convert_element_type3A_422 = arith.truncf %get3A_421 : vector<1x512xf32> to vector<1x512xbf16>
      %eq3A_423 = vector.broadcast %add3A_418 : i32 to vector<1x128xi32>
      %eq3A_424 = arith.cmpi eq, %select_n3A_149, %eq3A_423 : vector<1x128xi32>
      %and3A_425 = arith.andi %eq3A_424, %lt3A_152 : vector<1x128xi1>
      %get3A_426 = arith.constant 0 : index
      %get3A_427 = arith.constant 0 : index
      %get3A_428 = vector.load %arg17[%get3A_426, %get3A_427] : memref<160x512xbf16, #tpu.memory_space<vmem>>, vector<160x512xbf16>
      %add3A_429 = vector.broadcast %convert_element_type3A_422 : vector<1x512xbf16> to vector<160x512xbf16>
      %add3A_430 = arith.addf %get3A_428, %add3A_429 : vector<160x512xbf16>
      %tanh3A_431 = math.tanh %add3A_430 : vector<160x512xbf16>
      %get3A_432 = arith.constant 0 : index
      %get3A_433 = arith.constant 0 : index
      %get3A_434 = arith.constant 0 : index
      %get3A_435 = vector.load %arg9[%get3A_432, %get3A_433, %get3A_434] : memref<1x512x512xbf16, #tpu.memory_space<vmem>>, vector<1x512x512xbf16>
      %get3A_436 = vector.shape_cast %get3A_435 : vector<1x512x512xbf16> to vector<512x512xbf16>
      %dot_general3A_437 = arith.constant dense<0.000000e+00> : vector<160x512xf32>
      %dot_general3A_438 = tpu.matmul %tanh3A_431, %get3A_436, %dot_general3A_437 {dimension_numbers = #tpu.dot_dimension_numbers<[1], [0], [0], [1], [0, 0, 1, 1], [], []>, transpose_lhs_hint = false} : vector<160x512xbf16>, vector<512x512xbf16>, vector<160x512xf32> -> vector<160x512xf32>
      %convert_element_type3A_439 = arith.truncf %dot_general3A_438 : vector<160x512xf32> to vector<160x512xbf16>
      %exp3A_440 = math.exp %convert_element_type3A_439 : vector<160x512xbf16>
      %get3A_441 = arith.constant 0 : index
      %get3A_442 = arith.constant 0 : index
      %get3A_443 = vector.load %arg21[%get3A_441, %get3A_442] : memref<512x128xbf16, #tpu.memory_space<vmem>>, vector<512x128xbf16>
      %dot_general3A_444 = arith.constant dense<0.000000e+00> : vector<160x128xf32>
      %dot_general3A_445 = tpu.matmul %exp3A_440, %get3A_443, %dot_general3A_444 {dimension_numbers = #tpu.dot_dimension_numbers<[1], [0], [0], [1], [0, 0, 1, 1], [], []>, transpose_lhs_hint = false} : vector<160x512xbf16>, vector<512x128xbf16>, vector<160x128xf32> -> vector<160x128xf32>
      %log3A_446 = math.log %dot_general3A_445 : vector<160x128xf32>
      %get3A_447 = arith.constant 0 : index
      %get3A_448 = arith.constant 0 : index
      %get3A_449 = vector.load %arg22[%get3A_447, %get3A_448] : memref<160x128xf32, #tpu.memory_space<vmem>>, vector<160x128xf32>
      %slice3A_450 = vector.extract_strided_slice %log3A_446 {offsets = [0, 120], sizes = [160, 1], strides = [1, 1]} : vector<160x128xf32> to vector<160x1xf32>
      %sub3A_451 = vector.broadcast %slice3A_450 : vector<160x1xf32> to vector<160x128xf32>
      %sub3A_452 = arith.subf %log3A_446, %sub3A_451 : vector<160x128xf32>
      %jit3A_453 = arith.constant 0.000000e+00 : f32
      %broadcast_in_dim3A_454 = vector.shape_cast %and3A_425 : vector<1x128xi1> to vector<1x128xi1>
      %broadcast_in_dim3A_455 = vector.broadcast %broadcast_in_dim3A_454 : vector<1x128xi1> to vector<160x128xi1>
      %broadcast_in_dim3A_456 = vector.broadcast %jit3A_453 : f32 to vector<160x128xf32>
      %select_n3A_457 = arith.select %broadcast_in_dim3A_455, %sub3A_452, %broadcast_in_dim3A_456 : vector<160x128xi1>, vector<160x128xf32>
      %add3A_458 = arith.addf %get3A_449, %select_n3A_457 : vector<160x128xf32>
      %swap3A_459 = arith.constant 0 : index
      %swap3A_460 = arith.constant 0 : index
      %swap3A_461 = vector.load %arg22[%swap3A_459, %swap3A_460] : memref<160x128xf32, #tpu.memory_space<vmem>>, vector<160x128xf32>
      tpu.vector_store %arg22[%swap3A_459, %swap3A_460], %add3A_458 {strides = array<i32>} : memref<160x128xf32, #tpu.memory_space<vmem>>, vector<160x128xf32>,
      %while3A_462 = arith.constant 0 : i32
      scf.yield %while3A_462 : i32
    }
    %get3A_264 = arith.constant 0 : index
    %get3A_265 = arith.constant 0 : index
    %get3A_266 = vector.load %arg22[%get3A_264, %get3A_265] : memref<160x128xf32, #tpu.memory_space<vmem>>, vector<160x128xf32>
    %swap3A_267 = arith.constant 0 : index
    %swap3A_268 = arith.constant 0 : index
    %swap3A_269 = arith.constant 0 : index
    %swap3A_270 = arith.constant 0 : index
    %swap3A_271 = vector.load %arg15[%swap3A_267, %swap3A_268, %swap3A_269, %swap3A_270] : memref<1x1x160x128xf32, #tpu.memory_space<vmem>>, vector<1x1x160x128xf32>
    %swap3A_272 = vector.shape_cast %swap3A_271 : vector<1x1x160x128xf32> to vector<160x128xf32>
    %swap3A_273 = vector.shape_cast %get3A_266 : vector<160x128xf32> to vector<1x1x160x128xf32>
    tpu.vector_store %arg15[%swap3A_267, %swap3A_268, %swap3A_269, %swap3A_270], %swap3A_273 {strides = array<i32>} : memref<1x1x160x128xf32, #tpu.memory_space<vmem>>, vector<1x1x160x128xf32>,
    return
  }
  func.func @transform_0(%arg0: i32, %arg1: i32) -> (i32, i32, i32) {
    %c0_i32 = arith.constant 0 : i32
    %c0_i32_0 = arith.constant 0 : i32
    %c0_i32_1 = arith.constant 0 : i32
    return %arg1, %c0_i32, %c0_i32_0 : i32, i32, i32
  }
  func.func @transform_1(%arg0: i32, %arg1: i32) -> (i32, i32, i32, i32) {
    %c0_i32 = arith.constant 0 : i32
    %c0_i32_0 = arith.constant 0 : i32
    %c0_i32_1 = arith.constant 0 : i32
    return %arg0, %arg1, %c0_i32, %c0_i32_0 : i32, i32, i32, i32
  }
  func.func @transform_2(%arg0: i32, %arg1: i32) -> (i32, i32) {
    %c0_i32 = arith.constant 0 : i32
    %c0_i32_0 = arith.constant 0 : i32
    %c0_i32_1 = arith.constant 0 : i32
    return %c0_i32, %c0_i32_0 : i32, i32
  }
  func.func @transform_3(%arg0: i32, %arg1: i32) -> (i32, i32) {
    %c0_i32 = arith.constant 0 : i32
    %c0_i32_0 = arith.constant 0 : i32
    %c0_i32_1 = arith.constant 0 : i32
    return %c0_i32, %c0_i32_0 : i32, i32
  }
  func.func @transform_4(%arg0: i32, %arg1: i32) -> (i32, i32) {
    %c0_i32 = arith.constant 0 : i32
    %c0_i32_0 = arith.constant 0 : i32
    %c0_i32_1 = arith.constant 0 : i32
    return %c0_i32, %c0_i32_0 : i32, i32
  }
  func.func @transform_5(%arg0: i32, %arg1: i32) -> (i32, i32, i32) {
    %c0_i32 = arith.constant 0 : i32
    %c0_i32_0 = arith.constant 0 : i32
    %c0_i32_1 = arith.constant 0 : i32
    return %arg0, %c0_i32, %c0_i32_0 : i32, i32, i32
  }
  func.func @transform_6(%arg0: i32, %arg1: i32) -> (i32, i32, i32) {
    %c0_i32 = arith.constant 0 : i32
    %c0_i32_0 = arith.constant 0 : i32
    %c0_i32_1 = arith.constant 0 : i32
    return %arg0, %c0_i32, %c0_i32_0 : i32, i32, i32
  }
  func.func @transform_7(%arg0: i32, %arg1: i32) -> (i32, i32, i32) {
    %c0_i32 = arith.constant 0 : i32
    %c0_i32_0 = arith.constant 0 : i32
    %c0_i32_1 = arith.constant 0 : i32
    return %arg0, %c0_i32, %c0_i32_0 : i32, i32, i32
  }
  func.func @transform_8(%arg0: i32, %arg1: i32) -> (i32, i32, i32) {
    %c0_i32 = arith.constant 0 : i32
    %c0_i32_0 = arith.constant 0 : i32
    %c0_i32_1 = arith.constant 0 : i32
    return %arg0, %c0_i32, %c0_i32_0 : i32, i32, i32
  }
  func.func @transform_9(%arg0: i32, %arg1: i32) -> (i32, i32, i32) {
    %c0_i32 = arith.constant 0 : i32
    %c0_i32_0 = arith.constant 0 : i32
    %c0_i32_1 = arith.constant 0 : i32
    return %arg0, %c0_i32, %c0_i32_0 : i32, i32, i32
  }
  func.func @transform_10(%arg0: i32, %arg1: i32) -> (i32, i32, i32) {
    %c0_i32 = arith.constant 0 : i32
    %c0_i32_0 = arith.constant 0 : i32
    %c0_i32_1 = arith.constant 0 : i32
    return %arg0, %c0_i32, %c0_i32_0 : i32, i32, i32
  }
  func.func @transform_11(%arg0: i32, %arg1: i32) -> (i32, i32) {
    %c0_i32 = arith.constant 0 : i32
    %c0_i32_0 = arith.constant 0 : i32
    %c0_i32_1 = arith.constant 0 : i32
    return %c0_i32, %c0_i32_0 : i32, i32
  }
  func.func @transform_12(%arg0: i32, %arg1: i32) -> (i32, i32, i32, i32) {
    %c0_i32 = arith.constant 0 : i32
    %c0_i32_0 = arith.constant 0 : i32
    %c0_i32_1 = arith.constant 0 : i32
    return %arg0, %arg1, %c0_i32, %c0_i32_0 : i32, i32, i32, i32
  }
  func.func @transform_13(%arg0: i32, %arg1: i32) -> (i32, i32, i32, i32) {
    %c0_i32 = arith.constant 0 : i32
    %c0_i32_0 = arith.constant 0 : i32
    %c0_i32_1 = arith.constant 0 : i32
    return %arg0, %arg1, %c0_i32, %c0_i32_0 : i32, i32, i32, i32
  }
}

module attributes {stable_mosaic.version = 14 : i64} {
  func.func @_dp_body(%arg0: memref<160x32x128xf32, #tpu.memory_space<vmem>>, %arg1: memref<160x32x128xf32, #tpu.memory_space<vmem>>, %arg2: memref<32x128xi32, #tpu.memory_space<vmem>>, %arg3: memref<32x128xi32, #tpu.memory_space<vmem>>, %arg4: memref<1xi32, #tpu.memory_space<smem>>, %arg5: memref<32x128xf32, #tpu.memory_space<vmem>>, %arg6: memref<160x32x128xf32, #tpu.memory_space<vmem>>) attributes {dimension_semantics = [], scalar_prefetch = 0 : i64, scratch_operands = 1 : i64, tpu.core_type = #tpu.core_type<tc>} {
    %iota3A = tpu.iota {dimensions = array<i32: 0>} : vector<128x128xi32>
    %iota3A_0 = tpu.iota {dimensions = array<i32: 1>} : vector<128x128xi32>
    %lt3A = arith.cmpi slt, %iota3A, %iota3A_0 : vector<128x128xi32>
    %convert_element_type3A = arith.extui %lt3A : vector<128x128xi1> to vector<128x128xi32>
    %convert_element_type3A_1 = arith.sitofp %convert_element_type3A : vector<128x128xi32> to vector<128x128xf32>
    %get3A = arith.constant 0 : index
    %get3A_2 = arith.constant 0 : index
    %get3A_3 = arith.constant 0 : index
    %get3A_4 = vector.load %arg0[%get3A, %get3A_2, %get3A_3] : memref<160x32x128xf32, #tpu.memory_space<vmem>>, vector<160x32x128xf32>
    %reshape3A = vector.shape_cast %get3A_4 : vector<160x32x128xf32> to vector<5120x128xf32>
    %dot_general3A = arith.constant dense<0.000000e+00> : vector<5120x128xf32>
    %dot_general3A_5 = tpu.matmul %reshape3A, %convert_element_type3A_1, %dot_general3A {dimension_numbers = #tpu.dot_dimension_numbers<[1], [0], [0], [1], [0, 0, 1, 1], [], []>, transpose_lhs_hint = false} : vector<5120x128xf32>, vector<128x128xf32>, vector<5120x128xf32> -> vector<5120x128xf32>
    %reshape3A_6 = vector.shape_cast %dot_general3A_5 : vector<5120x128xf32> to vector<160x32x128xf32>
    %swap3A = arith.constant 0 : index
    %swap3A_7 = arith.constant 0 : index
    %swap3A_8 = arith.constant 0 : index
    %swap3A_9 = vector.load %arg6[%swap3A, %swap3A_7, %swap3A_8] : memref<160x32x128xf32, #tpu.memory_space<vmem>>, vector<160x32x128xf32>
    tpu.vector_store %arg6[%swap3A, %swap3A_7, %swap3A_8], %reshape3A_6 {strides = array<i32>} : memref<160x32x128xf32, #tpu.memory_space<vmem>>, vector<160x32x128xf32>,
    %iota3A_10 = tpu.iota {dimensions = array<i32: 1>} : vector<32x128xi32>
    %get3A_11 = arith.constant 0 : index
    %get3A_12 = arith.constant 0 : index
    %get3A_13 = vector.load %arg2[%get3A_11, %get3A_12] : memref<32x128xi32, #tpu.memory_space<vmem>>, vector<32x128xi32>
    %get3A_14 = arith.constant 0 : index
    %get3A_15 = arith.constant 0 : index
    %get3A_16 = vector.load %arg3[%get3A_14, %get3A_15] : memref<32x128xi32, #tpu.memory_space<vmem>>, vector<32x128xi32>
    %eq3A = arith.cmpi eq, %iota3A_10, %get3A_16 : vector<32x128xi32>
    %get3A_17 = arith.constant 0 : index
    %get3A_18 = arith.constant 0 : index
    %get3A_19 = vector.load %arg3[%get3A_17, %get3A_18] : memref<32x128xi32, #tpu.memory_space<vmem>>, vector<32x128xi32>
    %le3A = arith.cmpi sle, %iota3A_10, %get3A_19 : vector<32x128xi32>
    %le3A_20 = arith.cmpi sle, %iota3A, %iota3A_0 : vector<128x128xi32>
    %convert_element_type3A_21 = arith.extui %le3A_20 : vector<128x128xi1> to vector<128x128xi32>
    %convert_element_type3A_22 = arith.sitofp %convert_element_type3A_21 : vector<128x128xi32> to vector<128x128xf32>
    %get3A_23 = arith.constant 0 : index
    %get3A_24 = arith.constant 0 : index
    %get3A_25 = arith.constant 0 : index
    %get3A_26 = vector.load %arg6[%get3A_23, %get3A_24, %get3A_25] : memref<160x32x128xf32, #tpu.memory_space<vmem>>, vector<1x32x128xf32>
    %get3A_27 = vector.shape_cast %get3A_26 : vector<1x32x128xf32> to vector<32x128xf32>
    %eq3A_28 = arith.constant 1 : i32
    %eq3A_29 = vector.broadcast %eq3A_28 : i32 to vector<32x128xi32>
    %eq3A_30 = arith.cmpi eq, %get3A_13, %eq3A_29 : vector<32x128xi32>
    %and3A = arith.andi %eq3A_30, %eq3A : vector<32x128xi1>
    %get3A_31 = arith.constant 0 : index
    %get3A_32 = arith.constant 0 : index
    %get3A_33 = arith.constant 0 : index
    %get3A_34 = vector.load %arg1[%get3A_31, %get3A_32, %get3A_33] : memref<160x32x128xf32, #tpu.memory_space<vmem>>, vector<1x32x128xf32>
    %get3A_35 = vector.shape_cast %get3A_34 : vector<1x32x128xf32> to vector<32x128xf32>
    %add3A = arith.addf %get3A_27, %get3A_35 : vector<32x128xf32>
    %jit3A = arith.constant 0.000000e+00 : f32
    %broadcast_in_dim3A = vector.broadcast %jit3A : f32 to vector<32x128xf32>
    %select_n3A = arith.select %and3A, %add3A, %broadcast_in_dim3A : vector<32x128xi1>, vector<32x128xf32>
    %get3A_36 = arith.constant 0 : index
    %get3A_37 = memref.load %arg4[%get3A_36] : memref<1xi32, #tpu.memory_space<smem>>
    %while3A = arith.constant 1 : i32
    %while3A_38 = arith.subi %get3A_37, %while3A : i32
    %while3A_39 = arith.addi %while3A, %while3A_38 : i32
    %while3A_40 = arith.constant 1 : i32
    %while3A_41 = arith.divsi %while3A_38, %while3A_40 : i32
    %while3A_42 = arith.muli %while3A_41, %while3A_40 : i32
    %while3A_43 = arith.addi %while3A, %while3A_42 : i32
    %while3A_44 = arith.constant 1 : i32
    %while3A_45:2 = scf.for %while3A_51 = %while3A to %while3A_43 step %while3A_44 iter_args(%while3A_52 = %get3A_27, %while3A_53 = %select_n3A) -> (vector<32x128xf32>, vector<32x128xf32>)  : i32 {
      %get3A_54 = arith.index_cast %while3A_51 : i32 to index
      %get3A_55 = arith.constant 0 : index
      %get3A_56 = arith.constant 0 : index
      %get3A_57 = vector.load %arg6[%get3A_54, %get3A_55, %get3A_56] : memref<160x32x128xf32, #tpu.memory_space<vmem>>, vector<1x32x128xf32>
      %get3A_58 = vector.shape_cast %get3A_57 : vector<1x32x128xf32> to vector<32x128xf32>
      %sub3A = arith.constant 1 : i32
      %sub3A_59 = arith.subi %while3A_51, %sub3A : i32
      %get3A_60 = arith.index_cast %sub3A_59 : i32 to index
      %get3A_61 = arith.constant 0 : index
      %get3A_62 = arith.constant 0 : index
      %get3A_63 = vector.load %arg1[%get3A_60, %get3A_61, %get3A_62] : memref<160x32x128xf32, #tpu.memory_space<vmem>>, vector<1x32x128xf32>
      %get3A_64 = vector.shape_cast %get3A_63 : vector<1x32x128xf32> to vector<32x128xf32>
      %add3A_65 = arith.addf %while3A_52, %get3A_64 : vector<32x128xf32>
      %sub3A_66 = arith.subf %add3A_65, %get3A_58 : vector<32x128xf32>
      %jit3A_67 = arith.constant -1.000000e+30 : f32
      %broadcast_in_dim3A_68 = vector.broadcast %jit3A_67 : f32 to vector<32x128xf32>
      %select_n3A_69 = arith.select %le3A, %sub3A_66, %broadcast_in_dim3A_68 : vector<32x128xi1>, vector<32x128xf32>
      %reduce_max3A = arith.constant dense<0xFF800000> : vector<32xf32>
      %reduce_max3A_70 = vector.multi_reduction <maximumf>, %select_n3A_69, %reduce_max3A [1] : vector<32x128xf32> to vector<32xf32>
      %broadcast_in_dim3A_71 = vector.shape_cast %reduce_max3A_70 : vector<32xf32> to vector<32x1xf32>
      %sub3A_72 = vector.broadcast %broadcast_in_dim3A_71 : vector<32x1xf32> to vector<32x128xf32>
      %sub3A_73 = arith.subf %select_n3A_69, %sub3A_72 : vector<32x128xf32>
      %exp3A = math.exp %sub3A_73 : vector<32x128xf32>
      %dot_general3A_74 = arith.constant dense<0.000000e+00> : vector<32x128xf32>
      %dot_general3A_75 = tpu.matmul %exp3A, %convert_element_type3A_22, %dot_general3A_74 {dimension_numbers = #tpu.dot_dimension_numbers<[1], [0], [0], [1], [0, 0, 1, 1], [], []>, transpose_lhs_hint = false} : vector<32x128xf32>, vector<128x128xf32>, vector<32x128xf32> -> vector<32x128xf32>
      %add3A_76 = vector.broadcast %broadcast_in_dim3A_71 : vector<32x1xf32> to vector<32x128xf32>
      %add3A_77 = arith.addf %get3A_58, %add3A_76 : vector<32x128xf32>
      %log3A = math.log %dot_general3A_75 : vector<32x128xf32>
      %add3A_78 = arith.addf %add3A_77, %log3A : vector<32x128xf32>
      %sub3A_79 = arith.constant 1 : i32
      %sub3A_80 = vector.broadcast %sub3A_79 : i32 to vector<32x128xi32>
      %sub3A_81 = arith.subi %get3A_13, %sub3A_80 : vector<32x128xi32>
      %eq3A_82 = vector.broadcast %while3A_51 : i32 to vector<32x128xi32>
      %eq3A_83 = arith.cmpi eq, %sub3A_81, %eq3A_82 : vector<32x128xi32>
      %and3A_84 = arith.andi %eq3A_83, %eq3A : vector<32x128xi1>
      %get3A_85 = arith.index_cast %while3A_51 : i32 to index
      %get3A_86 = arith.constant 0 : index
      %get3A_87 = arith.constant 0 : index
      %get3A_88 = vector.load %arg1[%get3A_85, %get3A_86, %get3A_87] : memref<160x32x128xf32, #tpu.memory_space<vmem>>, vector<1x32x128xf32>
      %get3A_89 = vector.shape_cast %get3A_88 : vector<1x32x128xf32> to vector<32x128xf32>
      %add3A_90 = arith.addf %add3A_78, %get3A_89 : vector<32x128xf32>
      %jit3A_91 = arith.constant 0.000000e+00 : f32
      %broadcast_in_dim3A_92 = vector.broadcast %jit3A_91 : f32 to vector<32x128xf32>
      %select_n3A_93 = arith.select %and3A_84, %add3A_90, %broadcast_in_dim3A_92 : vector<32x128xi1>, vector<32x128xf32>
      %add3A_94 = arith.addf %while3A_53, %select_n3A_93 : vector<32x128xf32>
      scf.yield %add3A_78, %add3A_94 : vector<32x128xf32>, vector<32x128xf32>
    }
    %while3A_46 = arith.constant 1 : i32
    %while3A_47:2 = scf.for %while3A_51 = %while3A_43 to %while3A_39 step %while3A_46 iter_args(%while3A_52 = %while3A_45#0, %while3A_53 = %while3A_45#1) -> (vector<32x128xf32>, vector<32x128xf32>)  : i32 {
      %get3A_54 = arith.index_cast %while3A_51 : i32 to index
      %get3A_55 = arith.constant 0 : index
      %get3A_56 = arith.constant 0 : index
      %get3A_57 = vector.load %arg6[%get3A_54, %get3A_55, %get3A_56] : memref<160x32x128xf32, #tpu.memory_space<vmem>>, vector<1x32x128xf32>
      %get3A_58 = vector.shape_cast %get3A_57 : vector<1x32x128xf32> to vector<32x128xf32>
      %sub3A = arith.constant 1 : i32
      %sub3A_59 = arith.subi %while3A_51, %sub3A : i32
      %get3A_60 = arith.index_cast %sub3A_59 : i32 to index
      %get3A_61 = arith.constant 0 : index
      %get3A_62 = arith.constant 0 : index
      %get3A_63 = vector.load %arg1[%get3A_60, %get3A_61, %get3A_62] : memref<160x32x128xf32, #tpu.memory_space<vmem>>, vector<1x32x128xf32>
      %get3A_64 = vector.shape_cast %get3A_63 : vector<1x32x128xf32> to vector<32x128xf32>
      %add3A_65 = arith.addf %while3A_52, %get3A_64 : vector<32x128xf32>
      %sub3A_66 = arith.subf %add3A_65, %get3A_58 : vector<32x128xf32>
      %jit3A_67 = arith.constant -1.000000e+30 : f32
      %broadcast_in_dim3A_68 = vector.broadcast %jit3A_67 : f32 to vector<32x128xf32>
      %select_n3A_69 = arith.select %le3A, %sub3A_66, %broadcast_in_dim3A_68 : vector<32x128xi1>, vector<32x128xf32>
      %reduce_max3A = arith.constant dense<0xFF800000> : vector<32xf32>
      %reduce_max3A_70 = vector.multi_reduction <maximumf>, %select_n3A_69, %reduce_max3A [1] : vector<32x128xf32> to vector<32xf32>
      %broadcast_in_dim3A_71 = vector.shape_cast %reduce_max3A_70 : vector<32xf32> to vector<32x1xf32>
      %sub3A_72 = vector.broadcast %broadcast_in_dim3A_71 : vector<32x1xf32> to vector<32x128xf32>
      %sub3A_73 = arith.subf %select_n3A_69, %sub3A_72 : vector<32x128xf32>
      %exp3A = math.exp %sub3A_73 : vector<32x128xf32>
      %dot_general3A_74 = arith.constant dense<0.000000e+00> : vector<32x128xf32>
      %dot_general3A_75 = tpu.matmul %exp3A, %convert_element_type3A_22, %dot_general3A_74 {dimension_numbers = #tpu.dot_dimension_numbers<[1], [0], [0], [1], [0, 0, 1, 1], [], []>, transpose_lhs_hint = false} : vector<32x128xf32>, vector<128x128xf32>, vector<32x128xf32> -> vector<32x128xf32>
      %add3A_76 = vector.broadcast %broadcast_in_dim3A_71 : vector<32x1xf32> to vector<32x128xf32>
      %add3A_77 = arith.addf %get3A_58, %add3A_76 : vector<32x128xf32>
      %log3A = math.log %dot_general3A_75 : vector<32x128xf32>
      %add3A_78 = arith.addf %add3A_77, %log3A : vector<32x128xf32>
      %sub3A_79 = arith.constant 1 : i32
      %sub3A_80 = vector.broadcast %sub3A_79 : i32 to vector<32x128xi32>
      %sub3A_81 = arith.subi %get3A_13, %sub3A_80 : vector<32x128xi32>
      %eq3A_82 = vector.broadcast %while3A_51 : i32 to vector<32x128xi32>
      %eq3A_83 = arith.cmpi eq, %sub3A_81, %eq3A_82 : vector<32x128xi32>
      %and3A_84 = arith.andi %eq3A_83, %eq3A : vector<32x128xi1>
      %get3A_85 = arith.index_cast %while3A_51 : i32 to index
      %get3A_86 = arith.constant 0 : index
      %get3A_87 = arith.constant 0 : index
      %get3A_88 = vector.load %arg1[%get3A_85, %get3A_86, %get3A_87] : memref<160x32x128xf32, #tpu.memory_space<vmem>>, vector<1x32x128xf32>
      %get3A_89 = vector.shape_cast %get3A_88 : vector<1x32x128xf32> to vector<32x128xf32>
      %add3A_90 = arith.addf %add3A_78, %get3A_89 : vector<32x128xf32>
      %jit3A_91 = arith.constant 0.000000e+00 : f32
      %broadcast_in_dim3A_92 = vector.broadcast %jit3A_91 : f32 to vector<32x128xf32>
      %select_n3A_93 = arith.select %and3A_84, %add3A_90, %broadcast_in_dim3A_92 : vector<32x128xi1>, vector<32x128xf32>
      %add3A_94 = arith.addf %while3A_53, %select_n3A_93 : vector<32x128xf32>
      scf.yield %add3A_78, %add3A_94 : vector<32x128xf32>, vector<32x128xf32>
    }
    %swap3A_48 = arith.constant 0 : index
    %swap3A_49 = arith.constant 0 : index
    %swap3A_50 = vector.load %arg5[%swap3A_48, %swap3A_49] : memref<32x128xf32, #tpu.memory_space<vmem>>, vector<32x128xf32>
    tpu.vector_store %arg5[%swap3A_48, %swap3A_49], %while3A_47#1 {strides = array<i32>} : memref<32x128xf32, #tpu.memory_space<vmem>>, vector<32x128xf32>,
    return
  }
}

</mosaic_0001>

<sc_bundles>
// kernel: kernel.5.cloned.1.call-start
scs
__scs_entry_jumppad:
0x0: {  	(pc) =	sbr.rel $0x88, $3  }
0x1: {  	(tag) =	ssettag $0x0;
	lr =	simm.s32 $0x1  }
0x2: {  	[smem:$0x3F8B] =	sst lr;
	_ =	strace $0xD0000000  }
0x3: {  	_ = 	snop  }
0x4: {  	_ = 	snop  }
0x5: {  	_ = 	snop  }
0x6: {  	_ = 	snop  }
0x7: {  	_ = 	snop  }
__scs_overlays_trampoline_lowered:
0x8: {  	[smem:$0x3F9A] =	sst s0  }
0x9: {  	[smem:$0x3F9B] =	sst s1  }
0xa: {  	[smem:$0x3F9C] =	sst s2  }
0xb: {  	[smem:$0x3F9D] =	sst s3  }
0xc: {  	[smem:$0x3F9E] =	sst s4  }
0xd: {  	[smem:$0x3F9F] =	sst s5  }
0xe: {  	[smem:$0x3FA0] =	sst s6  }
0xf: {  	[smem:$0x3FA1] =	sst s7  }
0x10: {  	[smem:$0x3FA2] =	sst s8  }
0x11: {  	[smem:$0x3FA3] =	sst s9;
	s0 =	simm.s32 @!p0 $0x0  }
0x12: {  	s1 =	sld [smem:$0x3F89];
	s0 =	simm.s32 @p0 $0x1  }
0x13: {  	[smem:$0x3FA4] =	sst s0;
	s0 =	simm.s32 @!p1 $0x0  }
0x14: {  	s2 =	sld [smem:$0x3F88];
	s0 =	simm.s32 @p1 $0x1  }
0x15: {  	[smem:$0x3FA5] =	sst s0;
	s0 =	simm.s32 @!p2 $0x0  }
0x16: {  	s3 =	sld [smem:$0x3FDB];
	s0 =	simm.s32 @p2 $0x1  }
0x17: {  	s4 =	simm.s32 $0x1BF5;
	[smem:$0x3FA7] =	sst s0  }
0x18: {  	s0 =	sld [smem:$0x3F8A];
	_ =	swait.ge [sflag:s4], $0x0  }
0x19: {  	s7 =	sld [smem:$0x3F8B]  }
0x1a: {  	s8 =	sadd.s32 $0xFFFFE003, lr  }
0x1b: {  	s9 =	sadd.s32 $0xFFFFFEF7, lr;
	s5 =	simm.s32 $0xFFFFFFFF;
	p2 =	slt.u32 s8, $0xFFFFF086  }
0x1c: {  	p1 =	slt.u32 s9, $0xF7A;
	s5 =	simm.s32 @!p2 $0x0  }
0x1d: {  	s5 =	simm.s32 @p1 $0x1;
	p0 =	seq.s32 s7, s2  }
0x1e: {  	s7 =	smul.u32 @!p0 $0xF7A, s2;
	p2 =	seq.s32 @!p0 s5, $0x0  }
0x1f: {  	s9 =	smul.u32 $0xF7A, s1;
	s8 =	simm.s32 @!p0 $0x1BF5;
	p2 =	por !p2, p0  }
0x20: {  	[sflag:s8] =	ssyncset.s32 @!p0 $0xFFFFF086;
	s6 =	sadd.s32 @!p0 s3, s7;
	s7 =	simm.s32 @!p0 $0x108  }
0x21: {  	s3 =	sadd.s32 s3, s9;
	s6 =	sadd.s32 @!p0 $0x88, s6;
	s7 =	simm.s32 @p2 $0x1082  }
0x22: {  	[simem:s7], [sflag:s8] =	dma.local @!p0 [hbm:s6], $0xF7A  }
0x23: {  	s9 =	sor.u32 $0xD0000000, s2;
	s6 =	simm.s32 $0x108;
	_ =	swait.ge @!p0 [sflag:s8], $0x0  }
0x24: {  	s3 =	sadd.s32 $0x88, s3;
	s6 =	simm.s32 @!p1 $0x1082;
	[sflag:s4] =	ssyncset.s32 $0xFFFFF086  }
0x25: {  	[simem:s6], [sflag:s4] =	dma.local [hbm:s3], $0xF7A  }
0x26: {  	[smem:$0x3F8B] =	sst s1;
	(tag) =	ssettag s2;
	_ =	strace s9  }
0x27: {  	s1 =	sld [smem:$0x3F9B]  }
0x28: {  	s2 =	sld [smem:$0x3F9C]  }
0x29: {  	s4 =	sld [smem:$0x3F9E]  }
0x2a: {  	p0 =	seq.s32 s5, $0x0;
	s5 =	sld [smem:$0x3F9F]  }
0x2b: {  	s6 =	sld [smem:$0x3FA0]  }
0x2c: {  	s7 =	sld [smem:$0x3FA1]  }
0x2d: {  	s3 =	simm.s32 $0x108;
	s8 =	sld [smem:$0x3FA2]  }
0x2e: {  	s3 =	simm.s32 @!p0 $0x1082;
	s9 =	sld [smem:$0x3FA3]  }
0x2f: {  	lr =	sadd.s32 s0, s3;
	s0 =	sld [smem:$0x3F9A]  }
0x30: {  	s3 =	sld [smem:$0x3F9D]  }
0x31: {  	[smem:$0x3FA6] =	sst s10  }
0x32: {  	s10 =	sld [smem:$0x3FA4];
	_ =	sdelay $0x3  }
0x33: {  	p0 =	seq.s32 s10, $0x1;
	s10 =	sld [smem:$0x3FA6];
	_ =	sdelay $0x3  }
0x34: {  	[smem:$0x3FA6] =	sst s10  }
0x35: {  	s10 =	sld [smem:$0x3FA5];
	_ =	sdelay $0x3  }
0x36: {  	p1 =	seq.s32 s10, $0x1;
	s10 =	sld [smem:$0x3FA6];
	_ =	sdelay $0x3  }
0x37: {  	[smem:$0x3FA6] =	sst s10  }
0x38: {  	s10 =	sld [smem:$0x3FA7]  }
0x39: {  	_ = 	snop;
	(pc) =	sbr.ind lr, $3  }
0x3a: {  	_ = 	snop  }
0x3b: {  	_ = 	snop  }
0x3c: {  	p2 =	seq.s32 s10, $0x1;
	s10 =	sld [smem:$0x3FA6]  }
0x3d: {  	_ =	shalt  }
0x3e: {  	_ =	shalt  }
0x3f: {  	_ =	shalt  }
0x40: {  	_ =	shalt  }
0x41: {  	_ =	shalt  }
0x42: {  	_ =	shalt  }
0x43: {  	_ =	shalt  }
0x44: {  	_ =	shalt  }
0x45: {  	_ =	shalt  }
0x46: {  	_ =	shalt  }
0x47: {  	_ =	shalt  }
0x48: {  	_ =	shalt  }
0x49: {  	_ =	shalt  }
0x4a: {  	_ =	shalt  }
0x4b: {  	_ =	shalt  }
0x4c: {  	_ =	shalt  }
0x4d: {  	_ =	shalt  }
0x4e: {  	_ =	shalt  }
0x4f: {  	_ =	shalt  }
0x50: {  	_ =	shalt  }
0x51: {  	_ =	shalt  }
0x52: {  	_ =	shalt  }
0x53: {  	_ =	shalt  }
0x54: {  	_ =	shalt  }
0x55: {  	_ =	shalt  }
0x56: {  	_ =	shalt  }
0x57: {  	_ =	shalt  }
0x58: {  	_ =	shalt  }
0x59: {  	_ =	shalt  }
0x5a: {  	_ =	shalt  }
0x5b: {  	_ =	shalt  }
0x5c: {  	_ =	shalt  }
0x5d: {  	_ =	shalt  }
0x5e: {  	_ =	shalt  }
0x5f: {  	_ =	shalt  }
0x60: {  	_ =	shalt  }
0x61: {  	_ =	shalt  }
0x62: {  	_ =	shalt  }
0x63: {  	_ =	shalt  }
0x64: {  	_ =	shalt  }
0x65: {  	_ =	shalt  }
0x66: {  	_ =	shalt  }
0x67: {  	_ =	shalt  }
0x68: {  	_ =	shalt  }
0x69: {  	_ =	shalt  }
0x6a: {  	_ =	shalt  }
0x6b: {  	_ =	shalt  }
0x6c: {  	_ =	shalt  }
0x6d: {  	_ =	shalt  }
0x6e: {  	_ =	shalt  }
0x6f: {  	_ =	shalt  }
0x70: {  	_ =	shalt  }
0x71: {  	_ =	shalt  }
0x72: {  	_ =	shalt  }
0x73: {  	_ =	shalt  }
0x74: {  	_ =	shalt  }
0x75: {  	_ =	shalt  }
0x76: {  	_ =	shalt  }
0x77: {  	_ =	shalt  }
0x78: {  	_ =	shalt  }
0x79: {  	_ =	shalt  }
0x7a: {  	_ =	shalt  }
0x7b: {  	_ =	shalt  }
0x7c: {  	_ =	shalt  }
0x7d: {  	_ =	shalt  }
0x7e: {  	_ =	shalt  }
0x7f: {  	_ =	shalt  }
0x80: {  	_ =	shalt  }
0x81: {  	_ =	shalt  }
0x82: {  	_ =	shalt  }
0x83: {  	_ =	shalt  }
0x84: {  	_ =	shalt  }
0x85: {  	_ =	shalt  }
0x86: {  	_ =	shalt  }
0x87: {  	_ =	shalt  }
.Lfunc_end0:
.L_simem_size_0:
called_computation_lowered:
.L_overlay_start_0:
0x88: {  	s2 =	sld [smem:$0x3FD9]  }
0x89: {  	s3 =	sld [smem:$0x3FFE];
	_ =	sdelay $0x1  }
0x8a: {  	s1 =	srdreg.scid  }
0x8b: {  	s0 =	sand.u32 $0x1, s1  }
0x8c: {  	s16 =	sshll.u32 s0, $0xA;
	s2 =	sadd.s32 s3, s2  }
0x8d: {  	s2 =	sadd.s32 s2, s16  }
0x8e: {  	[smem:$0x3FB2] =	sst s2  }
0x8f: {  	_ = 	snop  }
0x90: {  	(tm) =	ssettm $0x1  }
0x91: {  	s17 =	sld [smem:$0x3FFB];
	_ =	sdelay $0x3  }
0x92: {  	_ =	strace s17  }
0x93: {  	s2 =	sld [smem:$0x3FFC];
	_ =	sdelay $0x3  }
0x94: {  	_ =	strace s2  }
0x95: {  	s2 =	sld [smem:$0x3FFD];
	_ =	sdelay $0x3  }
0x96: {  	_ =	strace s2  }
0x97: {  	_ =	strace $0x8FFFFFFF  }
0x98: {  	s18 =	sld [smem:$0x3FDB];
	_ =	sdelay $0x1  }
0x99: {  	s19 =	simm.s32 $_scs_section_size  }
0x9a: {  	s4 =	simm.s32 $_size__tile_overlayer_lowered;
	s5 =	simm.s32 $_tile_overlayer_lowered  }
0x9b: {  	s22 =	simm.s32 $0x1BFF;
	s21 =	sshll.u32 s5, $0x1;
	s2 =	sadd.s32 s19, s18  }
0x9c: {  	s6 =	simm.s32 $0x0;
	s20 =	sshll.u32 s4, $0x1;
	s4 =	sadd.s32 s21, s2  }
0x9d: {  	[timem:s6], [sflag:s22] =	dma.local [hbm:s4], s20  }
0x9e: {  	_ =	swait.ge [sflag:s22], s20  }
0x9f: {  	s3 =	ssub.s32 $0x0, s20;
	[sflag:s22] =	ssyncset.done $0x0  }
0xa0: {  	[sflag:s22] =	ssyncadd.s32 s3;
	_ =	sdelay $0x1  }
0xa1: {  	s23 =	simm.s32 $0x1B8B  }
0xa2: {  	_ =	swait.ge [sflag:s23], $0x1  }
0xa3: {  	[sflag:s23] =	ssyncset.done $0x0  }
0xa4: {  	s25 =	simm.s32 $0x1B8E;
	s24 =	sld [smem:$0x3FFE];
	[sflag:s23] =	ssyncadd.s32 $0xFFFFFFFF  }
0xa5: {  	s26 =	simm.s32 $execute0_lowered;
	[smem:$0x3FD2] =	sst s25  }
0xa6: {  	s4 =	sshll.u32 s26, $0x1;
	_ =	strace $0x80000046;
	[dreg:$0x1] =	wrdreg $0xFFFFFFFF  }
0xa7: {  	s28 =	simm.s32 $_size_execute0_lowered;
	s2 =	sadd.s32 s2, s4;
	[dreg:$0x0] =	wrdreg $0x0  }
0xa8: {  	s4 =	sshll.u32 s28, $0x1;
	[dreg:$0x2] =	wrdreg s2  }
0xa9: {  	[dreg:$0x3] =	wrdreg s4  }
0xaa: {  	[dreg:$0x4] =	wrdreg $0xC0  }
0xab: {  	_ =	task [dreg:s6], $0x5FFFF  }
0xac: {  	[dreg:$0x1] =	wrdreg $0xFFFFFFFF  }
0xad: {  	[dreg:$0x0] =	wrdreg $0x60  }
0xae: {  	[dreg:$0x2] =	wrdreg s24  }
0xaf: {  	[dreg:$0x3] =	wrdreg $0x9  }
0xb0: {  	_ =	task.clear_ibuf [dreg:s6], $0x4FFFF;
	_ =	strace $0x90000046  }
0xb1: {  	s29 =	simm.s32 $0x9;
	_ =	strace $0x80000048  }
0xb2: {  	_ =	swait.ge [sflag:s29], $0x1  }
0xb3: {  	[sflag:s29] =	ssyncadd.s32 $0xFFFFFFFF  }
0xb4: {  	_ =	strace $0x90000048  }
0xb5: {  	_ =	sfence  }
0xb6: {  	s30 =	sld [smem:$0x0];
	_ =	sdelay $0x2  }
0xb7: {  	s31 =	sshll.u32 s1, $0xD;
	s1 =	sshrl.u32 s1, $0x2  }
0xb8: {  	s3 =	sand.u32 $0x4000, s31;
	s1 =	sadd.s32 s1, s30  }
0xb9: {  	s0 =	sor.u32 s3, s0;
	s1 =	sshll.u32 s1, $0x11  }
0xba: {  	s0 =	sor.u32 s1, s0  }
0xbb: {  	s0 =	sadd.s32 $0x8F2B, s0  }
0xbc: {  	[sflag:s0] =	ssyncadd.remote.s32 $0x1  }
0xbd: {  	_ =	sfence.sel $0xFFFF  }
0xbe: {  	[dreg:$0x0] =	wrdreg $0xFFFFFFFF;
	(pc) =	sbr.abs _section_cstart, $3  }
0xbf: {  	[dreg:$0x1] =	wrdreg $0xFFFFFFFF  }
0xc0: {  	_ =	task.clear_ibuf [dreg:s6], $0x2FFFF;
	_ =	strace $0x9FFFFFFF  }
0xc1: {  	(tm) =	ssettm $0x7FFFFFFF  }
tec
execute0_lowered:
.L_overlay_start_1:
0x0: {  	(tag) =	ssettag $0x1  }
0x1: {  	s1 =	srdreg.scid  }
0x2: {  	s0 =	stileid.u32;
	s5 =	rddreg [dreg:$0x0]  }
0x3: {  	s2 =	simm.s32 $0x0;
	s10 =	simm.s32 $0x880;
	s11 =	simm.s32 $0x1080  }
0x4: {  	s12 =	simm.s32 $0x1880;
	s13 =	simm.s32 $0x2080;
	s14 =	simm.s32 $0x2880  }
0x5: {  	s3 =	sand.u32 $0x1, s1;
	s31 =	sshll.u32 s0, $0x1;
	s1 =	rddreg [dreg:$0x1]  }
0x6: {  	s15 =	simm.s32 $0x1;
	[smem:$0x7FF] =	sst s2;
	s4 =	sor.u32 s3, s31  }
0x7: {  	s7 =	ssub.s32 $0x2, s3;
	_ =	strace $0x80000047;
	s6 =	smul.u32 $0x3, s4  }
0x8: {  	s3 =	sadd.s32 $0x2800, s5;
	s4 =	smul.u32 $0x600, s4;
	s8 =	sshrl.u32 s7, $0x1  }
0x9: {  	v2 =	vlaneseq.u32;
	s7 =	ssub.s32 s7, s8;
	s8 =	simm.s32 $0x2;
	s6 =	sadd.s32 s6, s5  }
0xa: {  	vm0 =	vmmov $0xffff;
	v1 =	vshrl.u32 v2, $0x3;
	s9 =	sadd.s32 s4, s5;
	s5 =	sadd.s32 $0x2900, s5;
	s7 =	smax.u32 s7, $0x1  }
0xb: {  	v0 =	vand.u32 $0x7, v2;
	v2 =	vor.u32 $0x8, v2;
	v1 =	vmul.u32 $0x8, v1;
	s4 =	sadd.s32 $0x2600, s6;
	s6 =	sadd.s32 $0x12200, s9;
	s9 =	simm.s32 $0x80  }
.LBB2_1:
0xc: {  	[tilespmem:s2], [sflag:$0x2] =	stream.linear.gather [hbm4b:s4+s2], $0x18, $0x38;
	[tilespmem:$0x3080] =	vst v63  }
0xd: {  	_ =	swait.ge [sflag:s8], $0x18  }
0xe: {  	[sflag:s8] =	ssyncset.done $0x0  }
0xf: {  	[sflag:s8] =	ssyncadd.s32 $0xFFFFFFE8  }
0x10: {  	v3 =	vld [tilespmem:$0x0];
	_ =	sdelay $0x4  }
0x11: {  	v4 =	vshll.u32 v3, $0x2  }
0x12: {  	v3 =	vand.u32 $0x7, v3;
	v4 =	vand.u32 $0xFFFFFFE0, v4  }
0x13: {  	v3 =	vor.u32 v3, v4  }
0x14: {  	v4 =	vperm.xlane v3, v0;
	_ =	sdelay $0x1  }
0x15: {  	v4 =	vadd.s32 v1, v4;
	_ =	sdelay $0x1  }
0x16: {  	v3 =	vperm.xlane v3, v2;
	_ =	sdelay $0x1  }
0x17: {  	v3 =	vadd.s32 v1, v3  }
0x18: {  	[tilespmem:s9], [sflag:$0x1] =	stream.indirect_vreg.gather [hbm4b:s3+s2], $0x80, v4, vm0, $0xb8;
	[tilespmem:$0x3080] =	vst v63  }
0x19: {  	_ = 	snop  }
0x1a: {  	[tilespmem:s10], [sflag:$0x1] =	stream.indirect_vreg.gather [hbm4b:s5+s2], $0x80, v4, vm0, $0xb8;
	[tilespmem:$0x3080] =	vst v63  }
0x1b: {  	_ = 	snop  }
0x1c: {  	[tilespmem:s11], [sflag:$0x1] =	stream.indirect_vreg.gather [hbm4b:s3+s2], $0x80, v3, vm0, $0xb8;
	[tilespmem:$0x3080] =	vst v63  }
0x1d: {  	_ = 	snop  }
0x1e: {  	[tilespmem:s12], [sflag:$0x1] =	stream.indirect_vreg.gather [hbm4b:s5+s2], $0x80, v3, vm0, $0xb8;
	[tilespmem:$0x3080] =	vst v63  }
0x1f: {  	v3 =	vld.msk [tilespmem:$0x10], $0xff;
	_ =	sdelay $0x4  }
0x20: {  	v63 =	vshll.u32 v3, $0x2  }
0x21: {  	v3 =	vand.u32 $0x7, v3;
	v4 =	vand.u32 $0xFFFFFFE0, v63  }
0x22: {  	v3 =	vor.u32 v3, v4  }
0x23: {  	v3 =	vperm.xlane v3, v0;
	_ =	sdelay $0x1  }
0x24: {  	v3 =	vadd.s32 v1, v3;
	_ =	sdelay $0x4  }
0x25: {  	[tilespmem:s13], [sflag:$0x1] =	stream.indirect_vreg.gather [hbm4b:s3+s2], $0x80, v3, vm0, $0xb8;
	[tilespmem:$0x3080] =	vst v63  }
0x26: {  	_ = 	snop  }
0x27: {  	[tilespmem:s14], [sflag:$0x1] =	stream.indirect_vreg.gather [hbm4b:s5+s2], $0x80, v3, vm0, $0xb8;
	[tilespmem:$0x3080] =	vst v63  }
0x28: {  	_ =	swait.ge [sflag:s15], $0x3000  }
0x29: {  	p0 =	sne.s32 s7, $0x1;
	[sflag:s15] =	ssyncset.done $0x0  }
.Ltmp0:
0x2a: {  	[sflag:s15] =	ssyncadd.s32 $0xFFFFD000;
	(pc) =	sbr.rel @p0 .LBB2_1-.Ltmp0, $4  }
0x2b: {  	[hbm4b:s6+s2] =	stream.linear.scatter [tilespmem:s9], [sflag:$0x2], $0x3000, $0x38;
	[tilespmem:$0x3080] =	vst v63  }
0x2c: {  	_ =	swait.ge [sflag:s8], $0x3000  }
0x2d: {  	[sflag:s8] =	ssyncset.done $0x0  }
0x2e: {  	s7 =	sadd.s32 $0xFFFFFFFF, s7;
	[sflag:s8] =	ssyncadd.s32 $0xFFFFD000  }
0x2f: {  	_ =	sfence.sel $0x180000  }
0x30: {  	[bflag:$0x0] =	sbarrier.arrive $0xFFFF  }
0x31: {  	p0 =	sne.s32 s0, $0x0;
	_ =	strace $0x90000047  }
0x32: {  	s0 =	sadd.s32 @!p0 $0x100000, s1;
	[bflag:$0x2] =	sbarrier.arrive $0xFFFF  }
0x33: {  	[sflag:s0] =	ssyncadd.tile.s32 @!p0 $0x1;
	_ =	shalt  }
.Lfunc_end2:
_tile_overlayer_lowered:
.L_overlay_start_2:
0x34: {  	(tag) =	ssettag $0x2  }
0x35: {  	s0 =	rddreg [dreg:$0x0];
	s2 =	stileid.u32  }
0x36: {  	s1 =	rddreg [dreg:$0x1];
	p0 =	sne.s32 s2, $0x0  }
0x37: {  	s3 =	rddreg [dreg:$0x2];
	[bflag:$0x3] =	sbarrier.arrive $0xFFFF;
	s2 =	simm.s32 @!p0 $0x1C02  }
0x38: {  	[timem:s3], [sflag:s2] =	dma.local @!p0 [hbm:s0], s1  }
0x39: {  	s0 =	simm.s32 @!p0 $0x2  }
0x3a: {  	_ =	swait.ge @!p0 [sflag:s0], s1  }
0x3b: {  	s1 =	ssub.s32 @!p0 $0x0, s1;
	[sflag:s0] =	ssyncset.done @!p0 $0x0  }
0x3c: {  	[sflag:s0] =	ssyncadd.s32 @!p0 s1  }
0x3d: {  	[bflag:$0x3] =	sbarrier.arrive $0xFFFF  }
0x3e: {  	_ =	shalt  }

</sc_bundles>
